<compile_context>
chip_gen: v7x
topology: tpu7x:2x2x1
jax: 0.10.2.dev20260603
libtpu: 0.0.44.dev20260713+nightly
codegen_flags: <defaults>
</compile_context>

<pallas_src>
import functools

import jax
import jax.numpy as jnp
from jax import lax
from jax.experimental import pallas as pl
from jax.experimental.pallas import tpu as pltpu
from jax.experimental.pallas import tpu_sc as plsc

_NC = 2
_NS = 16
_NW = _NC * _NS
_G = 100
_GPC = 8
_CHUNK = _G * _GPC
_NBUF = 2


@functools.lru_cache(maxsize=None)
def _build(B, L, dim):
    total = B * L
    n_groups = total // _G
    groups_per_w = n_groups // _NW
    rows_per_w = total // _NW
    b_per_w = B // _NW
    chunks_per_w = rows_per_w // _CHUNK
    b_per_chunk = _CHUNK // L
    steps = chunks_per_w // _NBUF

    mesh = plsc.VectorSubcoreMesh(core_axis_name="c", subcore_axis_name="s")

    @functools.partial(
        pl.kernel,
        mesh=mesh,
        out_type=jax.ShapeDtypeStruct((B, L, dim), jnp.float32),
        compiler_params=pltpu.CompilerParams(use_tc_tiling_on_sc=False),
        scratch_types=[
            pltpu.VMEM((groups_per_w, _G), jnp.int32),
            pltpu.VMEM((_NBUF, b_per_chunk, L, dim), jnp.float32),
            pltpu.SemaphoreType.DMA,
            pltpu.SemaphoreType.DMA,
            pltpu.SemaphoreType.DMA,
            pltpu.SemaphoreType.DMA,
        ],
    )
    def gather_kernel(idx_hbm, table_hbm, out_hbm,
                      idx_v, rows, gsem0, gsem1, wsem0, wsem1):
        gsems = [gsem0, gsem1]
        wsems = [wsem0, wsem1]
        wid = lax.axis_index("s") * _NC + lax.axis_index("c")
        grp_base = wid * groups_per_w
        b_base = wid * b_per_w

        pltpu.sync_copy(idx_hbm.at[pl.ds(grp_base, groups_per_w)], idx_v)

        def step(i, carry):
            for b in range(_NBUF):
                c = i * _NBUF + b

                @pl.when(i >= 1)
                def _drain():
                    pltpu.make_async_copy(
                        rows.at[b],
                        out_hbm.at[pl.ds(0, b_per_chunk)],
                        wsems[b],
                    ).wait()

                copies = []
                g_per_l = L // _G
                for j in range(_GPC):
                    g = c * _GPC + j
                    copies.append(pltpu.make_async_copy(
                        table_hbm.at[idx_v.at[g]],
                        rows.at[b, j // g_per_l,
                                pl.ds((j % g_per_l) * _G, _G)],
                        gsems[b],
                    ))
                for cp in copies:
                    cp.start()
                for cp in copies:
                    cp.wait()

                pltpu.make_async_copy(
                    rows.at[b],
                    out_hbm.at[pl.ds(b_base + c * b_per_chunk, b_per_chunk)],
                    wsems[b],
                ).start()
            return carry

        lax.fori_loop(0, steps, step, 0)

        for b in range(_NBUF):
            pltpu.make_async_copy(
                rows.at[b], out_hbm.at[pl.ds(0, b_per_chunk)], wsems[b]
            ).wait()

    return gather_kernel


def kernel(input_ids, token_embedding):
    B, L = input_ids.shape
    V, D = token_embedding.shape
    total = B * L
    assert total % (_NW * _CHUNK * _NBUF) == 0 and _CHUNK % L == 0
    tab2 = jnp.pad(token_embedding, ((0, 0), (0, 128 - D))).reshape(2 * V, D)
    idx2 = (input_ids.astype(jnp.int32) * 2).reshape(total // _G, _G)
    return _build(B, L, D)(idx2, tab2)

# --- scband reference (transcript-rebuilt; emitter-appended) ---
"""Pipeline reference for scband-neural-flex-embedding-90039694393925 (READ-ONLY COPY).

The authoritative reference and input builder live on the scoring server;
editing this copy changes nothing except your own understanding.
"""

import jax, jax.numpy as jnp
import numpy as np

VOCAB = 1000000
DIM = 64
B = 4096
L = 200

def setup_inputs(seed: int = 0) -> dict:
    key = jax.random.key(seed)
    k1, k2 = jax.random.split(key)
    input_ids = jax.random.randint(k1, (B, L), 0, VOCAB, dtype=jnp.int64 if jax.config.jax_enable_x64 else jnp.int32)
    token_embedding = jax.random.normal(k2, (VOCAB, DIM), dtype=jnp.float32) * 0.02
    return {"input_ids": input_ids, "token_embedding": token_embedding}

def reference(input_ids, token_embedding):
    # text_embeddings = token_embedding(input_ids); vision_embeddings is None
    text_embeddings = jnp.take(token_embedding, input_ids, axis=0)
    # dropout with p=0.0 (eval / deterministic) is identity
    embeddings = text_embeddings
    return embeddings

if __name__ == "__main__":
    import jax
    _d = setup_inputs()
    print(jax.jit(kernel)(*tuple(_d.values())))

</pallas_src>

<mosaic_0001>
#map = affine_map<(d0, d1) -> (0, 0)>
#map1 = affine_map<(d0, d1) -> (0, 0, 0)>
module attributes {stable_mosaic.version = 14 : i64} {
  func.func @gather_kernel(%arg0: i32, %arg1: i32, %arg2: memref<8192x100xi32, #tpu.memory_space<hbm>>, %arg3: memref<2000000x64xf32, #tpu.memory_space<hbm>>, %arg4: memref<4096x200x64xf32, #tpu.memory_space<hbm>>, %arg5: memref<256x100xi32, #tpu.memory_space<vmem>>, %arg6: memref<2x4x200x64xf32, #tpu.memory_space<vmem>>, %arg7: memref<!tpu.dma_semaphore, #tpu.memory_space<semaphore_mem>>, %arg8: memref<!tpu.dma_semaphore, #tpu.memory_space<semaphore_mem>>, %arg9: memref<!tpu.dma_semaphore, #tpu.memory_space<semaphore_mem>>, %arg10: memref<!tpu.dma_semaphore, #tpu.memory_space<semaphore_mem>>) attributes {dimension_semantics = [#tpu.dimension_semantics<core_parallel>, #tpu.dimension_semantics<subcore_parallel>], iteration_bounds = array<i64: 2, 16>, scalar_prefetch = 0 : i64, scratch_operands = 6 : i64, tpu.core_type = #tpu.core_type<sc_vector_subcore>, window_params = [{transform_indices = #map}, {transform_indices = #map}, {transform_indices = #map1}]} {
    %mul3A = arith.constant 2 : i32
    %mul3A_0 = arith.muli %arg1, %mul3A : i32
    %add3A = arith.addi %mul3A_0, %arg0 : i32
    %mul3A_1 = arith.constant 256 : i32
    %mul3A_2 = arith.muli %add3A, %mul3A_1 : i32
    %mul3A_3 = arith.constant 128 : i32
    %mul3A_4 = arith.muli %add3A, %mul3A_3 : i32
    "tpu.region"() ({
      %run_scoped3A = tpu.sem_alloc : memref<!tpu.dma_semaphore, #tpu.memory_space<semaphore_mem>>
      %dma_start3A = arith.constant 0 : i32
      %dma_start3A_47 = tpu.memref_slice %arg2[%mul3A_2, %dma_start3A] : memref<8192x100xi32, #tpu.memory_space<hbm>> -> memref<256x100xi32, #tpu.memory_space<hbm>>
      %dma_start3A_48 = arith.constant 0 : i32
      %dma_start3A_49 = tpu.memref_slice %arg2[%mul3A_2, %dma_start3A_48] : memref<8192x100xi32, #tpu.memory_space<hbm>> -> memref<256x100xi32, #tpu.memory_space<hbm>>
      tpu.enqueue_dma source(%dma_start3A_49 : memref<256x100xi32, #tpu.memory_space<hbm>>) target(%arg5 : memref<256x100xi32, #tpu.memory_space<vmem>>) target_semaphore(%run_scoped3A : memref<!tpu.dma_semaphore, #tpu.memory_space<semaphore_mem>>)
      %dma_wait3A_50 = arith.constant 0 : i32
      %dma_wait3A_51 = tpu.memref_slice %arg2[%mul3A_2, %dma_wait3A_50] : memref<8192x100xi32, #tpu.memory_space<hbm>> -> memref<256x100xi32, #tpu.memory_space<hbm>>
      %dma_wait3A_52 = arith.constant 0 : i32
      %dma_wait3A_53 = tpu.memref_slice %arg2[%mul3A_2, %dma_wait3A_52] : memref<8192x100xi32, #tpu.memory_space<hbm>> -> memref<256x100xi32, #tpu.memory_space<hbm>>
      tpu.wait_dma2 semaphore(%run_scoped3A : memref<!tpu.dma_semaphore, #tpu.memory_space<semaphore_mem>>) src(%dma_wait3A_53 : memref<256x100xi32, #tpu.memory_space<hbm>>) dst(%arg5 : memref<256x100xi32, #tpu.memory_space<vmem>>)
      tpu.yield
    }) : () -> ()
    %scan3A = arith.constant 0 : i32
    %scan3A_5 = arith.constant 0 : i32
    %scan3A_6 = arith.constant 16 : i32
    %scan3A_7 = arith.addi %scan3A_5, %scan3A_6 : i32
    %scan3A_8 = arith.constant 1 : i32
    scf.for %scan3A_47 = %scan3A_5 to %scan3A_7 step %scan3A_8  : i32 {
      %mul3A_48 = arith.constant 2 : i32
      %mul3A_49 = arith.muli %scan3A_47, %mul3A_48 : i32
      %add3A_50 = arith.constant 0 : i32
      %add3A_51 = arith.addi %mul3A_49, %add3A_50 : i32
      %ge3A = arith.constant 1 : i32
      %ge3A_52 = arith.cmpi sge, %scan3A_47, %ge3A : i32
      %convert_element_type3A = arith.extui %ge3A_52 : i1 to i32
      %cond3A = arith.constant 0 : i32
      %cond3A_53 = arith.cmpi ne, %convert_element_type3A, %cond3A : i32
      scf.if %cond3A_53 {
        %dma_wait3A_550 = arith.constant 0 : i32
        %dma_wait3A_551 = arith.constant 0 : i32
        %dma_wait3A_552 = arith.constant 0 : i32
        %dma_wait3A_553 = arith.constant 0 : i32
        %dma_wait3A_554 = tpu.memref_slice %arg6[%dma_wait3A_550, %dma_wait3A_551, %dma_wait3A_552, %dma_wait3A_553] : memref<2x4x200x64xf32, #tpu.memory_space<vmem>> -> memref<1x4x200x64xf32, #tpu.memory_space<vmem>>
        %dma_wait3A_555 = tpu.memref_squeeze %dma_wait3A_554 : memref<1x4x200x64xf32, #tpu.memory_space<vmem>> -> memref<4x200x64xf32, #tpu.memory_space<vmem>>
        %dma_wait3A_556 = arith.constant 0 : i32
        %dma_wait3A_557 = arith.constant 0 : i32
        %dma_wait3A_558 = arith.constant 0 : i32
        %dma_wait3A_559 = tpu.memref_slice %arg4[%dma_wait3A_556, %dma_wait3A_557, %dma_wait3A_558] : memref<4096x200x64xf32, #tpu.memory_space<hbm>> -> memref<4x200x64xf32, #tpu.memory_space<hbm>>
        %dma_wait3A_560 = arith.constant 0 : i32
        %dma_wait3A_561 = arith.constant 0 : i32
        %dma_wait3A_562 = arith.constant 0 : i32
        %dma_wait3A_563 = tpu.memref_slice %arg4[%dma_wait3A_560, %dma_wait3A_561, %dma_wait3A_562] : memref<4096x200x64xf32, #tpu.memory_space<hbm>> -> memref<4x200x64xf32, #tpu.memory_space<hbm>>
        %dma_wait3A_564 = arith.constant 0 : i32
        %dma_wait3A_565 = arith.constant 0 : i32
        %dma_wait3A_566 = arith.constant 0 : i32
        %dma_wait3A_567 = tpu.memref_slice %arg6[%dma_wait3A_550, %dma_wait3A_564, %dma_wait3A_565, %dma_wait3A_566] : memref<2x4x200x64xf32, #tpu.memory_space<vmem>> -> memref<1x4x200x64xf32, #tpu.memory_space<vmem>>
        %dma_wait3A_568 = tpu.memref_squeeze %dma_wait3A_567 : memref<1x4x200x64xf32, #tpu.memory_space<vmem>> -> memref<4x200x64xf32, #tpu.memory_space<vmem>>
        tpu.wait_dma2 semaphore(%arg9 : memref<!tpu.dma_semaphore, #tpu.memory_space<semaphore_mem>>) src(%dma_wait3A_568 : memref<4x200x64xf32, #tpu.memory_space<vmem>>) dst(%dma_wait3A_563 : memref<4x200x64xf32, #tpu.memory_space<hbm>>)
      } else {
      }
      %mul3A_54 = arith.constant 8 : i32
      %mul3A_55 = arith.muli %add3A_51, %mul3A_54 : i32
      %add3A_56 = arith.constant 0 : i32
      %add3A_57 = arith.addi %mul3A_55, %add3A_56 : i32
      %mul3A_58 = arith.constant 8 : i32
      %mul3A_59 = arith.muli %add3A_51, %mul3A_58 : i32
      %add3A_60 = arith.constant 1 : i32
      %add3A_61 = arith.addi %mul3A_59, %add3A_60 : i32
      %mul3A_62 = arith.constant 8 : i32
      %mul3A_63 = arith.muli %add3A_51, %mul3A_62 : i32
      %add3A_64 = arith.constant 2 : i32
      %add3A_65 = arith.addi %mul3A_63, %add3A_64 : i32
      %mul3A_66 = arith.constant 8 : i32
      %mul3A_67 = arith.muli %add3A_51, %mul3A_66 : i32
      %add3A_68 = arith.constant 3 : i32
      %add3A_69 = arith.addi %mul3A_67, %add3A_68 : i32
      %mul3A_70 = arith.constant 8 : i32
      %mul3A_71 = arith.muli %add3A_51, %mul3A_70 : i32
      %add3A_72 = arith.constant 4 : i32
      %add3A_73 = arith.addi %mul3A_71, %add3A_72 : i32
      %mul3A_74 = arith.constant 8 : i32
      %mul3A_75 = arith.muli %add3A_51, %mul3A_74 : i32
      %add3A_76 = arith.constant 5 : i32
      %add3A_77 = arith.addi %mul3A_75, %add3A_76 : i32
      %mul3A_78 = arith.constant 8 : i32
      %mul3A_79 = arith.muli %add3A_51, %mul3A_78 : i32
      %add3A_80 = arith.constant 6 : i32
      %add3A_81 = arith.addi %mul3A_79, %add3A_80 : i32
      %mul3A_82 = arith.constant 8 : i32
      %mul3A_83 = arith.muli %add3A_51, %mul3A_82 : i32
      %add3A_84 = arith.constant 7 : i32
      %add3A_85 = arith.addi %mul3A_83, %add3A_84 : i32
      %dma_start3A = arith.constant 0 : i32
      %dma_start3A_86 = arith.constant 0 : i32
      %dma_start3A_87 = arith.constant 0 : i32
      %dma_start3A_88 = arith.constant 0 : i32
      %dma_start3A_89 = tpu.memref_slice %arg6[%dma_start3A, %dma_start3A_86, %dma_start3A_87, %dma_start3A_88] : memref<2x4x200x64xf32, #tpu.memory_space<vmem>> -> memref<1x1x100x64xf32, #tpu.memory_space<vmem>>
      %dma_start3A_90 = tpu.memref_squeeze %dma_start3A_89 : memref<1x1x100x64xf32, #tpu.memory_space<vmem>> -> memref<100x64xf32, #tpu.memory_space<vmem>>
      %dma_start3A_91 = arith.constant 0 : i32
      %dma_start3A_92 = tpu.memref_slice %arg5[%add3A_57, %dma_start3A_91] : memref<256x100xi32, #tpu.memory_space<vmem>> -> memref<1x100xi32, #tpu.memory_space<vmem>>
      %dma_start3A_93 = tpu.memref_squeeze %dma_start3A_92 : memref<1x100xi32, #tpu.memory_space<vmem>> -> memref<100xi32, #tpu.memory_space<vmem>>
      %dma_start3A_94 = arith.constant 0 : i32
      %dma_start3A_95 = arith.constant 0 : i32
      %dma_start3A_96 = tpu.memref_slice %arg3[%dma_start3A_94, %dma_start3A_95] : memref<2000000x64xf32, #tpu.memory_space<hbm>> -> memref<2000000x64xf32, #tpu.memory_space<hbm>>
      tpu.enqueue_indirect_dma source(%dma_start3A_96 : memref<2000000x64xf32, #tpu.memory_space<hbm>>) target(%dma_start3A_90 : memref<100x64xf32, #tpu.memory_space<vmem>>) offsets(%dma_start3A_93 : memref<100xi32, #tpu.memory_space<vmem>>) semaphore(%arg7 : memref<!tpu.dma_semaphore, #tpu.memory_space<semaphore_mem>>)
      %dma_start3A_97 = arith.constant 0 : i32
      %dma_start3A_98 = arith.constant 0 : i32
      %dma_start3A_99 = arith.constant 100 : i32
      %dma_start3A_100 = arith.constant 0 : i32
      %dma_start3A_101 = tpu.memref_slice %arg6[%dma_start3A_97, %dma_start3A_98, %dma_start3A_99, %dma_start3A_100] : memref<2x4x200x64xf32, #tpu.memory_space<vmem>> -> memref<1x1x100x64xf32, #tpu.memory_space<vmem>>
      %dma_start3A_102 = tpu.memref_squeeze %dma_start3A_101 : memref<1x1x100x64xf32, #tpu.memory_space<vmem>> -> memref<100x64xf32, #tpu.memory_space<vmem>>
      %dma_start3A_103 = arith.constant 0 : i32
      %dma_start3A_104 = tpu.memref_slice %arg5[%add3A_61, %dma_start3A_103] : memref<256x100xi32, #tpu.memory_space<vmem>> -> memref<1x100xi32, #tpu.memory_space<vmem>>
      %dma_start3A_105 = tpu.memref_squeeze %dma_start3A_104 : memref<1x100xi32, #tpu.memory_space<vmem>> -> memref<100xi32, #tpu.memory_space<vmem>>
      %dma_start3A_106 = arith.constant 0 : i32
      %dma_start3A_107 = arith.constant 0 : i32
      %dma_start3A_108 = tpu.memref_slice %arg3[%dma_start3A_106, %dma_start3A_107] : memref<2000000x64xf32, #tpu.memory_space<hbm>> -> memref<2000000x64xf32, #tpu.memory_space<hbm>>
      tpu.enqueue_indirect_dma source(%dma_start3A_108 : memref<2000000x64xf32, #tpu.memory_space<hbm>>) target(%dma_start3A_102 : memref<100x64xf32, #tpu.memory_space<vmem>>) offsets(%dma_start3A_105 : memref<100xi32, #tpu.memory_space<vmem>>) semaphore(%arg7 : memref<!tpu.dma_semaphore, #tpu.memory_space<semaphore_mem>>)
      %dma_start3A_109 = arith.constant 0 : i32
      %dma_start3A_110 = arith.constant 1 : i32
      %dma_start3A_111 = arith.constant 0 : i32
      %dma_start3A_112 = arith.constant 0 : i32
      %dma_start3A_113 = tpu.memref_slice %arg6[%dma_start3A_109, %dma_start3A_110, %dma_start3A_111, %dma_start3A_112] : memref<2x4x200x64xf32, #tpu.memory_space<vmem>> -> memref<1x1x100x64xf32, #tpu.memory_space<vmem>>
      %dma_start3A_114 = tpu.memref_squeeze %dma_start3A_113 : memref<1x1x100x64xf32, #tpu.memory_space<vmem>> -> memref<100x64xf32, #tpu.memory_space<vmem>>
      %dma_start3A_115 = arith.constant 0 : i32
      %dma_start3A_116 = tpu.memref_slice %arg5[%add3A_65, %dma_start3A_115] : memref<256x100xi32, #tpu.memory_space<vmem>> -> memref<1x100xi32, #tpu.memory_space<vmem>>
      %dma_start3A_117 = tpu.memref_squeeze %dma_start3A_116 : memref<1x100xi32, #tpu.memory_space<vmem>> -> memref<100xi32, #tpu.memory_space<vmem>>
      %dma_start3A_118 = arith.constant 0 : i32
      %dma_start3A_119 = arith.constant 0 : i32
      %dma_start3A_120 = tpu.memref_slice %arg3[%dma_start3A_118, %dma_start3A_119] : memref<2000000x64xf32, #tpu.memory_space<hbm>> -> memref<2000000x64xf32, #tpu.memory_space<hbm>>
      tpu.enqueue_indirect_dma source(%dma_start3A_120 : memref<2000000x64xf32, #tpu.memory_space<hbm>>) target(%dma_start3A_114 : memref<100x64xf32, #tpu.memory_space<vmem>>) offsets(%dma_start3A_117 : memref<100xi32, #tpu.memory_space<vmem>>) semaphore(%arg7 : memref<!tpu.dma_semaphore, #tpu.memory_space<semaphore_mem>>)
      %dma_start3A_121 = arith.constant 0 : i32
      %dma_start3A_122 = arith.constant 1 : i32
      %dma_start3A_123 = arith.constant 100 : i32
      %dma_start3A_124 = arith.constant 0 : i32
      %dma_start3A_125 = tpu.memref_slice %arg6[%dma_start3A_121, %dma_start3A_122, %dma_start3A_123, %dma_start3A_124] : memref<2x4x200x64xf32, #tpu.memory_space<vmem>> -> memref<1x1x100x64xf32, #tpu.memory_space<vmem>>
      %dma_start3A_126 = tpu.memref_squeeze %dma_start3A_125 : memref<1x1x100x64xf32, #tpu.memory_space<vmem>> -> memref<100x64xf32, #tpu.memory_space<vmem>>
      %dma_start3A_127 = arith.constant 0 : i32
      %dma_start3A_128 = tpu.memref_slice %arg5[%add3A_69, %dma_start3A_127] : memref<256x100xi32, #tpu.memory_space<vmem>> -> memref<1x100xi32, #tpu.memory_space<vmem>>
      %dma_start3A_129 = tpu.memref_squeeze %dma_start3A_128 : memref<1x100xi32, #tpu.memory_space<vmem>> -> memref<100xi32, #tpu.memory_space<vmem>>
      %dma_start3A_130 = arith.constant 0 : i32
      %dma_start3A_131 = arith.constant 0 : i32
      %dma_start3A_132 = tpu.memref_slice %arg3[%dma_start3A_130, %dma_start3A_131] : memref<2000000x64xf32, #tpu.memory_space<hbm>> -> memref<2000000x64xf32, #tpu.memory_space<hbm>>
      tpu.enqueue_indirect_dma source(%dma_start3A_132 : memref<2000000x64xf32, #tpu.memory_space<hbm>>) target(%dma_start3A_126 : memref<100x64xf32, #tpu.memory_space<vmem>>) offsets(%dma_start3A_129 : memref<100xi32, #tpu.memory_space<vmem>>) semaphore(%arg7 : memref<!tpu.dma_semaphore, #tpu.memory_space<semaphore_mem>>)
      %dma_start3A_133 = arith.constant 0 : i32
      %dma_start3A_134 = arith.constant 2 : i32
      %dma_start3A_135 = arith.constant 0 : i32
      %dma_start3A_136 = arith.constant 0 : i32
      %dma_start3A_137 = tpu.memref_slice %arg6[%dma_start3A_133, %dma_start3A_134, %dma_start3A_135, %dma_start3A_136] : memref<2x4x200x64xf32, #tpu.memory_space<vmem>> -> memref<1x1x100x64xf32, #tpu.memory_space<vmem>>
      %dma_start3A_138 = tpu.memref_squeeze %dma_start3A_137 : memref<1x1x100x64xf32, #tpu.memory_space<vmem>> -> memref<100x64xf32, #tpu.memory_space<vmem>>
      %dma_start3A_139 = arith.constant 0 : i32
      %dma_start3A_140 = tpu.memref_slice %arg5[%add3A_73, %dma_start3A_139] : memref<256x100xi32, #tpu.memory_space<vmem>> -> memref<1x100xi32, #tpu.memory_space<vmem>>
      %dma_start3A_141 = tpu.memref_squeeze %dma_start3A_140 : memref<1x100xi32, #tpu.memory_space<vmem>> -> memref<100xi32, #tpu.memory_space<vmem>>
      %dma_start3A_142 = arith.constant 0 : i32
      %dma_start3A_143 = arith.constant 0 : i32
      %dma_start3A_144 = tpu.memref_slice %arg3[%dma_start3A_142, %dma_start3A_143] : memref<2000000x64xf32, #tpu.memory_space<hbm>> -> memref<2000000x64xf32, #tpu.memory_space<hbm>>
      tpu.enqueue_indirect_dma source(%dma_start3A_144 : memref<2000000x64xf32, #tpu.memory_space<hbm>>) target(%dma_start3A_138 : memref<100x64xf32, #tpu.memory_space<vmem>>) offsets(%dma_start3A_141 : memref<100xi32, #tpu.memory_space<vmem>>) semaphore(%arg7 : memref<!tpu.dma_semaphore, #tpu.memory_space<semaphore_mem>>)
      %dma_start3A_145 = arith.constant 0 : i32
      %dma_start3A_146 = arith.constant 2 : i32
      %dma_start3A_147 = arith.constant 100 : i32
      %dma_start3A_148 = arith.constant 0 : i32
      %dma_start3A_149 = tpu.memref_slice %arg6[%dma_start3A_145, %dma_start3A_146, %dma_start3A_147, %dma_start3A_148] : memref<2x4x200x64xf32, #tpu.memory_space<vmem>> -> memref<1x1x100x64xf32, #tpu.memory_space<vmem>>
      %dma_start3A_150 = tpu.memref_squeeze %dma_start3A_149 : memref<1x1x100x64xf32, #tpu.memory_space<vmem>> -> memref<100x64xf32, #tpu.memory_space<vmem>>
      %dma_start3A_151 = arith.constant 0 : i32
      %dma_start3A_152 = tpu.memref_slice %arg5[%add3A_77, %dma_start3A_151] : memref<256x100xi32, #tpu.memory_space<vmem>> -> memref<1x100xi32, #tpu.memory_space<vmem>>
      %dma_start3A_153 = tpu.memref_squeeze %dma_start3A_152 : memref<1x100xi32, #tpu.memory_space<vmem>> -> memref<100xi32, #tpu.memory_space<vmem>>
      %dma_start3A_154 = arith.constant 0 : i32
      %dma_start3A_155 = arith.constant 0 : i32
      %dma_start3A_156 = tpu.memref_slice %arg3[%dma_start3A_154, %dma_start3A_155] : memref<2000000x64xf32, #tpu.memory_space<hbm>> -> memref<2000000x64xf32, #tpu.memory_space<hbm>>
      tpu.enqueue_indirect_dma source(%dma_start3A_156 : memref<2000000x64xf32, #tpu.memory_space<hbm>>) target(%dma_start3A_150 : memref<100x64xf32, #tpu.memory_space<vmem>>) offsets(%dma_start3A_153 : memref<100xi32, #tpu.memory_space<vmem>>) semaphore(%arg7 : memref<!tpu.dma_semaphore, #tpu.memory_space<semaphore_mem>>)
      %dma_start3A_157 = arith.constant 0 : i32
      %dma_start3A_158 = arith.constant 3 : i32
      %dma_start3A_159 = arith.constant 0 : i32
      %dma_start3A_160 = arith.constant 0 : i32
      %dma_start3A_161 = tpu.memref_slice %arg6[%dma_start3A_157, %dma_start3A_158, %dma_start3A_159, %dma_start3A_160] : memref<2x4x200x64xf32, #tpu.memory_space<vmem>> -> memref<1x1x100x64xf32, #tpu.memory_space<vmem>>
      %dma_start3A_162 = tpu.memref_squeeze %dma_start3A_161 : memref<1x1x100x64xf32, #tpu.memory_space<vmem>> -> memref<100x64xf32, #tpu.memory_space<vmem>>
      %dma_start3A_163 = arith.constant 0 : i32
      %dma_start3A_164 = tpu.memref_slice %arg5[%add3A_81, %dma_start3A_163] : memref<256x100xi32, #tpu.memory_space<vmem>> -> memref<1x100xi32, #tpu.memory_space<vmem>>
      %dma_start3A_165 = tpu.memref_squeeze %dma_start3A_164 : memref<1x100xi32, #tpu.memory_space<vmem>> -> memref<100xi32, #tpu.memory_space<vmem>>
      %dma_start3A_166 = arith.constant 0 : i32
      %dma_start3A_167 = arith.constant 0 : i32
      %dma_start3A_168 = tpu.memref_slice %arg3[%dma_start3A_166, %dma_start3A_167] : memref<2000000x64xf32, #tpu.memory_space<hbm>> -> memref<2000000x64xf32, #tpu.memory_space<hbm>>
      tpu.enqueue_indirect_dma source(%dma_start3A_168 : memref<2000000x64xf32, #tpu.memory_space<hbm>>) target(%dma_start3A_162 : memref<100x64xf32, #tpu.memory_space<vmem>>) offsets(%dma_start3A_165 : memref<100xi32, #tpu.memory_space<vmem>>) semaphore(%arg7 : memref<!tpu.dma_semaphore, #tpu.memory_space<semaphore_mem>>)
      %dma_start3A_169 = arith.constant 0 : i32
      %dma_start3A_170 = arith.constant 3 : i32
      %dma_start3A_171 = arith.constant 100 : i32
      %dma_start3A_172 = arith.constant 0 : i32
      %dma_start3A_173 = tpu.memref_slice %arg6[%dma_start3A_169, %dma_start3A_170, %dma_start3A_171, %dma_start3A_172] : memref<2x4x200x64xf32, #tpu.memory_space<vmem>> -> memref<1x1x100x64xf32, #tpu.memory_space<vmem>>
      %dma_start3A_174 = tpu.memref_squeeze %dma_start3A_173 : memref<1x1x100x64xf32, #tpu.memory_space<vmem>> -> memref<100x64xf32, #tpu.memory_space<vmem>>
      %dma_start3A_175 = arith.constant 0 : i32
      %dma_start3A_176 = tpu.memref_slice %arg5[%add3A_85, %dma_start3A_175] : memref<256x100xi32, #tpu.memory_space<vmem>> -> memref<1x100xi32, #tpu.memory_space<vmem>>
      %dma_start3A_177 = tpu.memref_squeeze %dma_start3A_176 : memref<1x100xi32, #tpu.memory_space<vmem>> -> memref<100xi32, #tpu.memory_space<vmem>>
      %dma_start3A_178 = arith.constant 0 : i32
      %dma_start3A_179 = arith.constant 0 : i32
      %dma_start3A_180 = tpu.memref_slice %arg3[%dma_start3A_178, %dma_start3A_179] : memref<2000000x64xf32, #tpu.memory_space<hbm>> -> memref<2000000x64xf32, #tpu.memory_space<hbm>>
      tpu.enqueue_indirect_dma source(%dma_start3A_180 : memref<2000000x64xf32, #tpu.memory_space<hbm>>) target(%dma_start3A_174 : memref<100x64xf32, #tpu.memory_space<vmem>>) offsets(%dma_start3A_177 : memref<100xi32, #tpu.memory_space<vmem>>) semaphore(%arg7 : memref<!tpu.dma_semaphore, #tpu.memory_space<semaphore_mem>>)
      %dma_wait3A_181 = arith.constant 0 : i32
      %dma_wait3A_182 = arith.constant 0 : i32
      %dma_wait3A_183 = arith.constant 0 : i32
      %dma_wait3A_184 = arith.constant 0 : i32
      %dma_wait3A_185 = tpu.memref_slice %arg6[%dma_wait3A_181, %dma_wait3A_182, %dma_wait3A_183, %dma_wait3A_184] : memref<2x4x200x64xf32, #tpu.memory_space<vmem>> -> memref<1x1x100x64xf32, #tpu.memory_space<vmem>>
      %dma_wait3A_186 = tpu.memref_squeeze %dma_wait3A_185 : memref<1x1x100x64xf32, #tpu.memory_space<vmem>> -> memref<100x64xf32, #tpu.memory_space<vmem>>
      %dma_wait3A_187 = arith.constant 0 : i32
      %dma_wait3A_188 = tpu.memref_slice %arg5[%add3A_57, %dma_wait3A_187] : memref<256x100xi32, #tpu.memory_space<vmem>> -> memref<1x100xi32, #tpu.memory_space<vmem>>
      %dma_wait3A_189 = tpu.memref_squeeze %dma_wait3A_188 : memref<1x100xi32, #tpu.memory_space<vmem>> -> memref<100xi32, #tpu.memory_space<vmem>>
      %dma_wait3A_190 = arith.constant 0 : i32
      %dma_wait3A_191 = arith.constant 0 : i32
      %dma_wait3A_192 = tpu.memref_slice %arg3[%dma_wait3A_190, %dma_wait3A_191] : memref<2000000x64xf32, #tpu.memory_space<hbm>> -> memref<2000000x64xf32, #tpu.memory_space<hbm>>
      tpu.wait_indirect_dma semaphore(%arg7 : memref<!tpu.dma_semaphore, #tpu.memory_space<semaphore_mem>>) src(%dma_wait3A_192 : memref<2000000x64xf32, #tpu.memory_space<hbm>>) dst(%dma_wait3A_186 : memref<100x64xf32, #tpu.memory_space<vmem>>)
      %dma_wait3A_193 = arith.constant 0 : i32
      %dma_wait3A_194 = arith.constant 0 : i32
      %dma_wait3A_195 = arith.constant 100 : i32
      %dma_wait3A_196 = arith.constant 0 : i32
      %dma_wait3A_197 = tpu.memref_slice %arg6[%dma_wait3A_193, %dma_wait3A_194, %dma_wait3A_195, %dma_wait3A_196] : memref<2x4x200x64xf32, #tpu.memory_space<vmem>> -> memref<1x1x100x64xf32, #tpu.memory_space<vmem>>
      %dma_wait3A_198 = tpu.memref_squeeze %dma_wait3A_197 : memref<1x1x100x64xf32, #tpu.memory_space<vmem>> -> memref<100x64xf32, #tpu.memory_space<vmem>>
      %dma_wait3A_199 = arith.constant 0 : i32
      %dma_wait3A_200 = tpu.memref_slice %arg5[%add3A_61, %dma_wait3A_199] : memref<256x100xi32, #tpu.memory_space<vmem>> -> memref<1x100xi32, #tpu.memory_space<vmem>>
      %dma_wait3A_201 = tpu.memref_squeeze %dma_wait3A_200 : memref<1x100xi32, #tpu.memory_space<vmem>> -> memref<100xi32, #tpu.memory_space<vmem>>
      %dma_wait3A_202 = arith.constant 0 : i32
      %dma_wait3A_203 = arith.constant 0 : i32
      %dma_wait3A_204 = tpu.memref_slice %arg3[%dma_wait3A_202, %dma_wait3A_203] : memref<2000000x64xf32, #tpu.memory_space<hbm>> -> memref<2000000x64xf32, #tpu.memory_space<hbm>>
      tpu.wait_indirect_dma semaphore(%arg7 : memref<!tpu.dma_semaphore, #tpu.memory_space<semaphore_mem>>) src(%dma_wait3A_204 : memref<2000000x64xf32, #tpu.memory_space<hbm>>) dst(%dma_wait3A_198 : memref<100x64xf32, #tpu.memory_space<vmem>>)
      %dma_wait3A_205 = arith.constant 0 : i32
      %dma_wait3A_206 = arith.constant 1 : i32
      %dma_wait3A_207 = arith.constant 0 : i32
      %dma_wait3A_208 = arith.constant 0 : i32
      %dma_wait3A_209 = tpu.memref_slice %arg6[%dma_wait3A_205, %dma_wait3A_206, %dma_wait3A_207, %dma_wait3A_208] : memref<2x4x200x64xf32, #tpu.memory_space<vmem>> -> memref<1x1x100x64xf32, #tpu.memory_space<vmem>>
      %dma_wait3A_210 = tpu.memref_squeeze %dma_wait3A_209 : memref<1x1x100x64xf32, #tpu.memory_space<vmem>> -> memref<100x64xf32, #tpu.memory_space<vmem>>
      %dma_wait3A_211 = arith.constant 0 : i32
      %dma_wait3A_212 = tpu.memref_slice %arg5[%add3A_65, %dma_wait3A_211] : memref<256x100xi32, #tpu.memory_space<vmem>> -> memref<1x100xi32, #tpu.memory_space<vmem>>
      %dma_wait3A_213 = tpu.memref_squeeze %dma_wait3A_212 : memref<1x100xi32, #tpu.memory_space<vmem>> -> memref<100xi32, #tpu.memory_space<vmem>>
      %dma_wait3A_214 = arith.constant 0 : i32
      %dma_wait3A_215 = arith.constant 0 : i32
      %dma_wait3A_216 = tpu.memref_slice %arg3[%dma_wait3A_214, %dma_wait3A_215] : memref<2000000x64xf32, #tpu.memory_space<hbm>> -> memref<2000000x64xf32, #tpu.memory_space<hbm>>
      tpu.wait_indirect_dma semaphore(%arg7 : memref<!tpu.dma_semaphore, #tpu.memory_space<semaphore_mem>>) src(%dma_wait3A_216 : memref<2000000x64xf32, #tpu.memory_space<hbm>>) dst(%dma_wait3A_210 : memref<100x64xf32, #tpu.memory_space<vmem>>)
      %dma_wait3A_217 = arith.constant 0 : i32
      %dma_wait3A_218 = arith.constant 1 : i32
      %dma_wait3A_219 = arith.constant 100 : i32
      %dma_wait3A_220 = arith.constant 0 : i32
      %dma_wait3A_221 = tpu.memref_slice %arg6[%dma_wait3A_217, %dma_wait3A_218, %dma_wait3A_219, %dma_wait3A_220] : memref<2x4x200x64xf32, #tpu.memory_space<vmem>> -> memref<1x1x100x64xf32, #tpu.memory_space<vmem>>
      %dma_wait3A_222 = tpu.memref_squeeze %dma_wait3A_221 : memref<1x1x100x64xf32, #tpu.memory_space<vmem>> -> memref<100x64xf32, #tpu.memory_space<vmem>>
      %dma_wait3A_223 = arith.constant 0 : i32
      %dma_wait3A_224 = tpu.memref_slice %arg5[%add3A_69, %dma_wait3A_223] : memref<256x100xi32, #tpu.memory_space<vmem>> -> memref<1x100xi32, #tpu.memory_space<vmem>>
      %dma_wait3A_225 = tpu.memref_squeeze %dma_wait3A_224 : memref<1x100xi32, #tpu.memory_space<vmem>> -> memref<100xi32, #tpu.memory_space<vmem>>
      %dma_wait3A_226 = arith.constant 0 : i32
      %dma_wait3A_227 = arith.constant 0 : i32
      %dma_wait3A_228 = tpu.memref_slice %arg3[%dma_wait3A_226, %dma_wait3A_227] : memref<2000000x64xf32, #tpu.memory_space<hbm>> -> memref<2000000x64xf32, #tpu.memory_space<hbm>>
      tpu.wait_indirect_dma semaphore(%arg7 : memref<!tpu.dma_semaphore, #tpu.memory_space<semaphore_mem>>) src(%dma_wait3A_228 : memref<2000000x64xf32, #tpu.memory_space<hbm>>) dst(%dma_wait3A_222 : memref<100x64xf32, #tpu.memory_space<vmem>>)
      %dma_wait3A_229 = arith.constant 0 : i32
      %dma_wait3A_230 = arith.constant 2 : i32
      %dma_wait3A_231 = arith.constant 0 : i32
      %dma_wait3A_232 = arith.constant 0 : i32
      %dma_wait3A_233 = tpu.memref_slice %arg6[%dma_wait3A_229, %dma_wait3A_230, %dma_wait3A_231, %dma_wait3A_232] : memref<2x4x200x64xf32, #tpu.memory_space<vmem>> -> memref<1x1x100x64xf32, #tpu.memory_space<vmem>>
      %dma_wait3A_234 = tpu.memref_squeeze %dma_wait3A_233 : memref<1x1x100x64xf32, #tpu.memory_space<vmem>> -> memref<100x64xf32, #tpu.memory_space<vmem>>
      %dma_wait3A_235 = arith.constant 0 : i32
      %dma_wait3A_236 = tpu.memref_slice %arg5[%add3A_73, %dma_wait3A_235] : memref<256x100xi32, #tpu.memory_space<vmem>> -> memref<1x100xi32, #tpu.memory_space<vmem>>
      %dma_wait3A_237 = tpu.memref_squeeze %dma_wait3A_236 : memref<1x100xi32, #tpu.memory_space<vmem>> -> memref<100xi32, #tpu.memory_space<vmem>>
      %dma_wait3A_238 = arith.constant 0 : i32
      %dma_wait3A_239 = arith.constant 0 : i32
      %dma_wait3A_240 = tpu.memref_slice %arg3[%dma_wait3A_238, %dma_wait3A_239] : memref<2000000x64xf32, #tpu.memory_space<hbm>> -> memref<2000000x64xf32, #tpu.memory_space<hbm>>
      tpu.wait_indirect_dma semaphore(%arg7 : memref<!tpu.dma_semaphore, #tpu.memory_space<semaphore_mem>>) src(%dma_wait3A_240 : memref<2000000x64xf32, #tpu.memory_space<hbm>>) dst(%dma_wait3A_234 : memref<100x64xf32, #tpu.memory_space<vmem>>)
      %dma_wait3A_241 = arith.constant 0 : i32
      %dma_wait3A_242 = arith.constant 2 : i32
      %dma_wait3A_243 = arith.constant 100 : i32
      %dma_wait3A_244 = arith.constant 0 : i32
      %dma_wait3A_245 = tpu.memref_slice %arg6[%dma_wait3A_241, %dma_wait3A_242, %dma_wait3A_243, %dma_wait3A_244] : memref<2x4x200x64xf32, #tpu.memory_space<vmem>> -> memref<1x1x100x64xf32, #tpu.memory_space<vmem>>
      %dma_wait3A_246 = tpu.memref_squeeze %dma_wait3A_245 : memref<1x1x100x64xf32, #tpu.memory_space<vmem>> -> memref<100x64xf32, #tpu.memory_space<vmem>>
      %dma_wait3A_247 = arith.constant 0 : i32
      %dma_wait3A_248 = tpu.memref_slice %arg5[%add3A_77, %dma_wait3A_247] : memref<256x100xi32, #tpu.memory_space<vmem>> -> memref<1x100xi32, #tpu.memory_space<vmem>>
      %dma_wait3A_249 = tpu.memref_squeeze %dma_wait3A_248 : memref<1x100xi32, #tpu.memory_space<vmem>> -> memref<100xi32, #tpu.memory_space<vmem>>
      %dma_wait3A_250 = arith.constant 0 : i32
      %dma_wait3A_251 = arith.constant 0 : i32
      %dma_wait3A_252 = tpu.memref_slice %arg3[%dma_wait3A_250, %dma_wait3A_251] : memref<2000000x64xf32, #tpu.memory_space<hbm>> -> memref<2000000x64xf32, #tpu.memory_space<hbm>>
      tpu.wait_indirect_dma semaphore(%arg7 : memref<!tpu.dma_semaphore, #tpu.memory_space<semaphore_mem>>) src(%dma_wait3A_252 : memref<2000000x64xf32, #tpu.memory_space<hbm>>) dst(%dma_wait3A_246 : memref<100x64xf32, #tpu.memory_space<vmem>>)
      %dma_wait3A_253 = arith.constant 0 : i32
      %dma_wait3A_254 = arith.constant 3 : i32
      %dma_wait3A_255 = arith.constant 0 : i32
      %dma_wait3A_256 = arith.constant 0 : i32
      %dma_wait3A_257 = tpu.memref_slice %arg6[%dma_wait3A_253, %dma_wait3A_254, %dma_wait3A_255, %dma_wait3A_256] : memref<2x4x200x64xf32, #tpu.memory_space<vmem>> -> memref<1x1x100x64xf32, #tpu.memory_space<vmem>>
      %dma_wait3A_258 = tpu.memref_squeeze %dma_wait3A_257 : memref<1x1x100x64xf32, #tpu.memory_space<vmem>> -> memref<100x64xf32, #tpu.memory_space<vmem>>
      %dma_wait3A_259 = arith.constant 0 : i32
      %dma_wait3A_260 = tpu.memref_slice %arg5[%add3A_81, %dma_wait3A_259] : memref<256x100xi32, #tpu.memory_space<vmem>> -> memref<1x100xi32, #tpu.memory_space<vmem>>
      %dma_wait3A_261 = tpu.memref_squeeze %dma_wait3A_260 : memref<1x100xi32, #tpu.memory_space<vmem>> -> memref<100xi32, #tpu.memory_space<vmem>>
      %dma_wait3A_262 = arith.constant 0 : i32
      %dma_wait3A_263 = arith.constant 0 : i32
      %dma_wait3A_264 = tpu.memref_slice %arg3[%dma_wait3A_262, %dma_wait3A_263] : memref<2000000x64xf32, #tpu.memory_space<hbm>> -> memref<2000000x64xf32, #tpu.memory_space<hbm>>
      tpu.wait_indirect_dma semaphore(%arg7 : memref<!tpu.dma_semaphore, #tpu.memory_space<semaphore_mem>>) src(%dma_wait3A_264 : memref<2000000x64xf32, #tpu.memory_space<hbm>>) dst(%dma_wait3A_258 : memref<100x64xf32, #tpu.memory_space<vmem>>)
      %dma_wait3A_265 = arith.constant 0 : i32
      %dma_wait3A_266 = arith.constant 3 : i32
      %dma_wait3A_267 = arith.constant 100 : i32
      %dma_wait3A_268 = arith.constant 0 : i32
      %dma_wait3A_269 = tpu.memref_slice %arg6[%dma_wait3A_265, %dma_wait3A_266, %dma_wait3A_267, %dma_wait3A_268] : memref<2x4x200x64xf32, #tpu.memory_space<vmem>> -> memref<1x1x100x64xf32, #tpu.memory_space<vmem>>
      %dma_wait3A_270 = tpu.memref_squeeze %dma_wait3A_269 : memref<1x1x100x64xf32, #tpu.memory_space<vmem>> -> memref<100x64xf32, #tpu.memory_space<vmem>>
      %dma_wait3A_271 = arith.constant 0 : i32
      %dma_wait3A_272 = tpu.memref_slice %arg5[%add3A_85, %dma_wait3A_271] : memref<256x100xi32, #tpu.memory_space<vmem>> -> memref<1x100xi32, #tpu.memory_space<vmem>>
      %dma_wait3A_273 = tpu.memref_squeeze %dma_wait3A_272 : memref<1x100xi32, #tpu.memory_space<vmem>> -> memref<100xi32, #tpu.memory_space<vmem>>
      %dma_wait3A_274 = arith.constant 0 : i32
      %dma_wait3A_275 = arith.constant 0 : i32
      %dma_wait3A_276 = tpu.memref_slice %arg3[%dma_wait3A_274, %dma_wait3A_275] : memref<2000000x64xf32, #tpu.memory_space<hbm>> -> memref<2000000x64xf32, #tpu.memory_space<hbm>>
      tpu.wait_indirect_dma semaphore(%arg7 : memref<!tpu.dma_semaphore, #tpu.memory_space<semaphore_mem>>) src(%dma_wait3A_276 : memref<2000000x64xf32, #tpu.memory_space<hbm>>) dst(%dma_wait3A_270 : memref<100x64xf32, #tpu.memory_space<vmem>>)
      %mul3A_277 = arith.constant 4 : i32
      %mul3A_278 = arith.muli %add3A_51, %mul3A_277 : i32
      %add3A_279 = arith.addi %mul3A_4, %mul3A_278 : i32
      %dma_start3A_280 = arith.constant 0 : i32
      %dma_start3A_281 = arith.constant 0 : i32
      %dma_start3A_282 = arith.constant 0 : i32
      %dma_start3A_283 = arith.constant 0 : i32
      %dma_start3A_284 = tpu.memref_slice %arg6[%dma_start3A_280, %dma_start3A_281, %dma_start3A_282, %dma_start3A_283] : memref<2x4x200x64xf32, #tpu.memory_space<vmem>> -> memref<1x4x200x64xf32, #tpu.memory_space<vmem>>
      %dma_start3A_285 = tpu.memref_squeeze %dma_start3A_284 : memref<1x4x200x64xf32, #tpu.memory_space<vmem>> -> memref<4x200x64xf32, #tpu.memory_space<vmem>>
      %dma_start3A_286 = arith.constant 0 : i32
      %dma_start3A_287 = arith.constant 0 : i32
      %dma_start3A_288 = tpu.memref_slice %arg4[%add3A_279, %dma_start3A_286, %dma_start3A_287] : memref<4096x200x64xf32, #tpu.memory_space<hbm>> -> memref<4x200x64xf32, #tpu.memory_space<hbm>>
      %dma_start3A_289 = arith.constant 0 : i32
      %dma_start3A_290 = arith.constant 0 : i32
      %dma_start3A_291 = tpu.memref_slice %arg4[%add3A_279, %dma_start3A_289, %dma_start3A_290] : memref<4096x200x64xf32, #tpu.memory_space<hbm>> -> memref<4x200x64xf32, #tpu.memory_space<hbm>>
      %dma_start3A_292 = arith.constant 0 : i32
      %dma_start3A_293 = arith.constant 0 : i32
      %dma_start3A_294 = arith.constant 0 : i32
      %dma_start3A_295 = tpu.memref_slice %arg6[%dma_start3A_280, %dma_start3A_292, %dma_start3A_293, %dma_start3A_294] : memref<2x4x200x64xf32, #tpu.memory_space<vmem>> -> memref<1x4x200x64xf32, #tpu.memory_space<vmem>>
      %dma_start3A_296 = tpu.memref_squeeze %dma_start3A_295 : memref<1x4x200x64xf32, #tpu.memory_space<vmem>> -> memref<4x200x64xf32, #tpu.memory_space<vmem>>
      tpu.enqueue_dma source(%dma_start3A_296 : memref<4x200x64xf32, #tpu.memory_space<vmem>>) target(%dma_start3A_291 : memref<4x200x64xf32, #tpu.memory_space<hbm>>) target_semaphore(%arg9 : memref<!tpu.dma_semaphore, #tpu.memory_space<semaphore_mem>>)
      %mul3A_297 = arith.constant 2 : i32
      %mul3A_298 = arith.muli %scan3A_47, %mul3A_297 : i32
      %add3A_299 = arith.constant 1 : i32
      %add3A_300 = arith.addi %mul3A_298, %add3A_299 : i32
      %ge3A_301 = arith.constant 1 : i32
      %ge3A_302 = arith.cmpi sge, %scan3A_47, %ge3A_301 : i32
      %convert_element_type3A_303 = arith.extui %ge3A_302 : i1 to i32
      %cond3A_304 = arith.constant 0 : i32
      %cond3A_305 = arith.cmpi ne, %convert_element_type3A_303, %cond3A_304 : i32
      scf.if %cond3A_305 {
        %dma_wait3A_550 = arith.constant 1 : i32
        %dma_wait3A_551 = arith.constant 0 : i32
        %dma_wait3A_552 = arith.constant 0 : i32
        %dma_wait3A_553 = arith.constant 0 : i32
        %dma_wait3A_554 = tpu.memref_slice %arg6[%dma_wait3A_550, %dma_wait3A_551, %dma_wait3A_552, %dma_wait3A_553] : memref<2x4x200x64xf32, #tpu.memory_space<vmem>> -> memref<1x4x200x64xf32, #tpu.memory_space<vmem>>
        %dma_wait3A_555 = tpu.memref_squeeze %dma_wait3A_554 : memref<1x4x200x64xf32, #tpu.memory_space<vmem>> -> memref<4x200x64xf32, #tpu.memory_space<vmem>>
        %dma_wait3A_556 = arith.constant 0 : i32
        %dma_wait3A_557 = arith.constant 0 : i32
        %dma_wait3A_558 = arith.constant 0 : i32
        %dma_wait3A_559 = tpu.memref_slice %arg4[%dma_wait3A_556, %dma_wait3A_557, %dma_wait3A_558] : memref<4096x200x64xf32, #tpu.memory_space<hbm>> -> memref<4x200x64xf32, #tpu.memory_space<hbm>>
        %dma_wait3A_560 = arith.constant 0 : i32
        %dma_wait3A_561 = arith.constant 0 : i32
        %dma_wait3A_562 = arith.constant 0 : i32
        %dma_wait3A_563 = tpu.memref_slice %arg4[%dma_wait3A_560, %dma_wait3A_561, %dma_wait3A_562] : memref<4096x200x64xf32, #tpu.memory_space<hbm>> -> memref<4x200x64xf32, #tpu.memory_space<hbm>>
        %dma_wait3A_564 = arith.constant 0 : i32
        %dma_wait3A_565 = arith.constant 0 : i32
        %dma_wait3A_566 = arith.constant 0 : i32
        %dma_wait3A_567 = tpu.memref_slice %arg6[%dma_wait3A_550, %dma_wait3A_564, %dma_wait3A_565, %dma_wait3A_566] : memref<2x4x200x64xf32, #tpu.memory_space<vmem>> -> memref<1x4x200x64xf32, #tpu.memory_space<vmem>>
        %dma_wait3A_568 = tpu.memref_squeeze %dma_wait3A_567 : memref<1x4x200x64xf32, #tpu.memory_space<vmem>> -> memref<4x200x64xf32, #tpu.memory_space<vmem>>
        tpu.wait_dma2 semaphore(%arg10 : memref<!tpu.dma_semaphore, #tpu.memory_space<semaphore_mem>>) src(%dma_wait3A_568 : memref<4x200x64xf32, #tpu.memory_space<vmem>>) dst(%dma_wait3A_563 : memref<4x200x64xf32, #tpu.memory_space<hbm>>)
      } else {
      }
      %mul3A_306 = arith.constant 8 : i32
      %mul3A_307 = arith.muli %add3A_300, %mul3A_306 : i32
      %add3A_308 = arith.constant 0 : i32
      %add3A_309 = arith.addi %mul3A_307, %add3A_308 : i32
      %mul3A_310 = arith.constant 8 : i32
      %mul3A_311 = arith.muli %add3A_300, %mul3A_310 : i32
      %add3A_312 = arith.constant 1 : i32
      %add3A_313 = arith.addi %mul3A_311, %add3A_312 : i32
      %mul3A_314 = arith.constant 8 : i32
      %mul3A_315 = arith.muli %add3A_300, %mul3A_314 : i32
      %add3A_316 = arith.constant 2 : i32
      %add3A_317 = arith.addi %mul3A_315, %add3A_316 : i32
      %mul3A_318 = arith.constant 8 : i32
      %mul3A_319 = arith.muli %add3A_300, %mul3A_318 : i32
      %add3A_320 = arith.constant 3 : i32
      %add3A_321 = arith.addi %mul3A_319, %add3A_320 : i32
      %mul3A_322 = arith.constant 8 : i32
      %mul3A_323 = arith.muli %add3A_300, %mul3A_322 : i32
      %add3A_324 = arith.constant 4 : i32
      %add3A_325 = arith.addi %mul3A_323, %add3A_324 : i32
      %mul3A_326 = arith.constant 8 : i32
      %mul3A_327 = arith.muli %add3A_300, %mul3A_326 : i32
      %add3A_328 = arith.constant 5 : i32
      %add3A_329 = arith.addi %mul3A_327, %add3A_328 : i32
      %mul3A_330 = arith.constant 8 : i32
      %mul3A_331 = arith.muli %add3A_300, %mul3A_330 : i32
      %add3A_332 = arith.constant 6 : i32
      %add3A_333 = arith.addi %mul3A_331, %add3A_332 : i32
      %mul3A_334 = arith.constant 8 : i32
      %mul3A_335 = arith.muli %add3A_300, %mul3A_334 : i32
      %add3A_336 = arith.constant 7 : i32
      %add3A_337 = arith.addi %mul3A_335, %add3A_336 : i32
      %dma_start3A_338 = arith.constant 1 : i32
      %dma_start3A_339 = arith.constant 0 : i32
      %dma_start3A_340 = arith.constant 0 : i32
      %dma_start3A_341 = arith.constant 0 : i32
      %dma_start3A_342 = tpu.memref_slice %arg6[%dma_start3A_338, %dma_start3A_339, %dma_start3A_340, %dma_start3A_341] : memref<2x4x200x64xf32, #tpu.memory_space<vmem>> -> memref<1x1x100x64xf32, #tpu.memory_space<vmem>>
      %dma_start3A_343 = tpu.memref_squeeze %dma_start3A_342 : memref<1x1x100x64xf32, #tpu.memory_space<vmem>> -> memref<100x64xf32, #tpu.memory_space<vmem>>
      %dma_start3A_344 = arith.constant 0 : i32
      %dma_start3A_345 = tpu.memref_slice %arg5[%add3A_309, %dma_start3A_344] : memref<256x100xi32, #tpu.memory_space<vmem>> -> memref<1x100xi32, #tpu.memory_space<vmem>>
      %dma_start3A_346 = tpu.memref_squeeze %dma_start3A_345 : memref<1x100xi32, #tpu.memory_space<vmem>> -> memref<100xi32, #tpu.memory_space<vmem>>
      %dma_start3A_347 = arith.constant 0 : i32
      %dma_start3A_348 = arith.constant 0 : i32
      %dma_start3A_349 = tpu.memref_slice %arg3[%dma_start3A_347, %dma_start3A_348] : memref<2000000x64xf32, #tpu.memory_space<hbm>> -> memref<2000000x64xf32, #tpu.memory_space<hbm>>
      tpu.enqueue_indirect_dma source(%dma_start3A_349 : memref<2000000x64xf32, #tpu.memory_space<hbm>>) target(%dma_start3A_343 : memref<100x64xf32, #tpu.memory_space<vmem>>) offsets(%dma_start3A_346 : memref<100xi32, #tpu.memory_space<vmem>>) semaphore(%arg8 : memref<!tpu.dma_semaphore, #tpu.memory_space<semaphore_mem>>)
      %dma_start3A_350 = arith.constant 1 : i32
      %dma_start3A_351 = arith.constant 0 : i32
      %dma_start3A_352 = arith.constant 100 : i32
      %dma_start3A_353 = arith.constant 0 : i32
      %dma_start3A_354 = tpu.memref_slice %arg6[%dma_start3A_350, %dma_start3A_351, %dma_start3A_352, %dma_start3A_353] : memref<2x4x200x64xf32, #tpu.memory_space<vmem>> -> memref<1x1x100x64xf32, #tpu.memory_space<vmem>>
      %dma_start3A_355 = tpu.memref_squeeze %dma_start3A_354 : memref<1x1x100x64xf32, #tpu.memory_space<vmem>> -> memref<100x64xf32, #tpu.memory_space<vmem>>
      %dma_start3A_356 = arith.constant 0 : i32
      %dma_start3A_357 = tpu.memref_slice %arg5[%add3A_313, %dma_start3A_356] : memref<256x100xi32, #tpu.memory_space<vmem>> -> memref<1x100xi32, #tpu.memory_space<vmem>>
      %dma_start3A_358 = tpu.memref_squeeze %dma_start3A_357 : memref<1x100xi32, #tpu.memory_space<vmem>> -> memref<100xi32, #tpu.memory_space<vmem>>
      %dma_start3A_359 = arith.constant 0 : i32
      %dma_start3A_360 = arith.constant 0 : i32
      %dma_start3A_361 = tpu.memref_slice %arg3[%dma_start3A_359, %dma_start3A_360] : memref<2000000x64xf32, #tpu.memory_space<hbm>> -> memref<2000000x64xf32, #tpu.memory_space<hbm>>
      tpu.enqueue_indirect_dma source(%dma_start3A_361 : memref<2000000x64xf32, #tpu.memory_space<hbm>>) target(%dma_start3A_355 : memref<100x64xf32, #tpu.memory_space<vmem>>) offsets(%dma_start3A_358 : memref<100xi32, #tpu.memory_space<vmem>>) semaphore(%arg8 : memref<!tpu.dma_semaphore, #tpu.memory_space<semaphore_mem>>)
      %dma_start3A_362 = arith.constant 1 : i32
      %dma_start3A_363 = arith.constant 1 : i32
      %dma_start3A_364 = arith.constant 0 : i32
      %dma_start3A_365 = arith.constant 0 : i32
      %dma_start3A_366 = tpu.memref_slice %arg6[%dma_start3A_362, %dma_start3A_363, %dma_start3A_364, %dma_start3A_365] : memref<2x4x200x64xf32, #tpu.memory_space<vmem>> -> memref<1x1x100x64xf32, #tpu.memory_space<vmem>>
      %dma_start3A_367 = tpu.memref_squeeze %dma_start3A_366 : memref<1x1x100x64xf32, #tpu.memory_space<vmem>> -> memref<100x64xf32, #tpu.memory_space<vmem>>
      %dma_start3A_368 = arith.constant 0 : i32
      %dma_start3A_369 = tpu.memref_slice %arg5[%add3A_317, %dma_start3A_368] : memref<256x100xi32, #tpu.memory_space<vmem>> -> memref<1x100xi32, #tpu.memory_space<vmem>>
      %dma_start3A_370 = tpu.memref_squeeze %dma_start3A_369 : memref<1x100xi32, #tpu.memory_space<vmem>> -> memref<100xi32, #tpu.memory_space<vmem>>
      %dma_start3A_371 = arith.constant 0 : i32
      %dma_start3A_372 = arith.constant 0 : i32
      %dma_start3A_373 = tpu.memref_slice %arg3[%dma_start3A_371, %dma_start3A_372] : memref<2000000x64xf32, #tpu.memory_space<hbm>> -> memref<2000000x64xf32, #tpu.memory_space<hbm>>
      tpu.enqueue_indirect_dma source(%dma_start3A_373 : memref<2000000x64xf32, #tpu.memory_space<hbm>>) target(%dma_start3A_367 : memref<100x64xf32, #tpu.memory_space<vmem>>) offsets(%dma_start3A_370 : memref<100xi32, #tpu.memory_space<vmem>>) semaphore(%arg8 : memref<!tpu.dma_semaphore, #tpu.memory_space<semaphore_mem>>)
      %dma_start3A_374 = arith.constant 1 : i32
      %dma_start3A_375 = arith.constant 1 : i32
      %dma_start3A_376 = arith.constant 100 : i32
      %dma_start3A_377 = arith.constant 0 : i32
      %dma_start3A_378 = tpu.memref_slice %arg6[%dma_start3A_374, %dma_start3A_375, %dma_start3A_376, %dma_start3A_377] : memref<2x4x200x64xf32, #tpu.memory_space<vmem>> -> memref<1x1x100x64xf32, #tpu.memory_space<vmem>>
      %dma_start3A_379 = tpu.memref_squeeze %dma_start3A_378 : memref<1x1x100x64xf32, #tpu.memory_space<vmem>> -> memref<100x64xf32, #tpu.memory_space<vmem>>
      %dma_start3A_380 = arith.constant 0 : i32
      %dma_start3A_381 = tpu.memref_slice %arg5[%add3A_321, %dma_start3A_380] : memref<256x100xi32, #tpu.memory_space<vmem>> -> memref<1x100xi32, #tpu.memory_space<vmem>>
      %dma_start3A_382 = tpu.memref_squeeze %dma_start3A_381 : memref<1x100xi32, #tpu.memory_space<vmem>> -> memref<100xi32, #tpu.memory_space<vmem>>
      %dma_start3A_383 = arith.constant 0 : i32
      %dma_start3A_384 = arith.constant 0 : i32
      %dma_start3A_385 = tpu.memref_slice %arg3[%dma_start3A_383, %dma_start3A_384] : memref<2000000x64xf32, #tpu.memory_space<hbm>> -> memref<2000000x64xf32, #tpu.memory_space<hbm>>
      tpu.enqueue_indirect_dma source(%dma_start3A_385 : memref<2000000x64xf32, #tpu.memory_space<hbm>>) target(%dma_start3A_379 : memref<100x64xf32, #tpu.memory_space<vmem>>) offsets(%dma_start3A_382 : memref<100xi32, #tpu.memory_space<vmem>>) semaphore(%arg8 : memref<!tpu.dma_semaphore, #tpu.memory_space<semaphore_mem>>)
      %dma_start3A_386 = arith.constant 1 : i32
      %dma_start3A_387 = arith.constant 2 : i32
      %dma_start3A_388 = arith.constant 0 : i32
      %dma_start3A_389 = arith.constant 0 : i32
      %dma_start3A_390 = tpu.memref_slice %arg6[%dma_start3A_386, %dma_start3A_387, %dma_start3A_388, %dma_start3A_389] : memref<2x4x200x64xf32, #tpu.memory_space<vmem>> -> memref<1x1x100x64xf32, #tpu.memory_space<vmem>>
      %dma_start3A_391 = tpu.memref_squeeze %dma_start3A_390 : memref<1x1x100x64xf32, #tpu.memory_space<vmem>> -> memref<100x64xf32, #tpu.memory_space<vmem>>
      %dma_start3A_392 = arith.constant 0 : i32
      %dma_start3A_393 = tpu.memref_slice %arg5[%add3A_325, %dma_start3A_392] : memref<256x100xi32, #tpu.memory_space<vmem>> -> memref<1x100xi32, #tpu.memory_space<vmem>>
      %dma_start3A_394 = tpu.memref_squeeze %dma_start3A_393 : memref<1x100xi32, #tpu.memory_space<vmem>> -> memref<100xi32, #tpu.memory_space<vmem>>
      %dma_start3A_395 = arith.constant 0 : i32
      %dma_start3A_396 = arith.constant 0 : i32
      %dma_start3A_397 = tpu.memref_slice %arg3[%dma_start3A_395, %dma_start3A_396] : memref<2000000x64xf32, #tpu.memory_space<hbm>> -> memref<2000000x64xf32, #tpu.memory_space<hbm>>
      tpu.enqueue_indirect_dma source(%dma_start3A_397 : memref<2000000x64xf32, #tpu.memory_space<hbm>>) target(%dma_start3A_391 : memref<100x64xf32, #tpu.memory_space<vmem>>) offsets(%dma_start3A_394 : memref<100xi32, #tpu.memory_space<vmem>>) semaphore(%arg8 : memref<!tpu.dma_semaphore, #tpu.memory_space<semaphore_mem>>)
      %dma_start3A_398 = arith.constant 1 : i32
      %dma_start3A_399 = arith.constant 2 : i32
      %dma_start3A_400 = arith.constant 100 : i32
      %dma_start3A_401 = arith.constant 0 : i32
      %dma_start3A_402 = tpu.memref_slice %arg6[%dma_start3A_398, %dma_start3A_399, %dma_start3A_400, %dma_start3A_401] : memref<2x4x200x64xf32, #tpu.memory_space<vmem>> -> memref<1x1x100x64xf32, #tpu.memory_space<vmem>>
      %dma_start3A_403 = tpu.memref_squeeze %dma_start3A_402 : memref<1x1x100x64xf32, #tpu.memory_space<vmem>> -> memref<100x64xf32, #tpu.memory_space<vmem>>
      %dma_start3A_404 = arith.constant 0 : i32
      %dma_start3A_405 = tpu.memref_slice %arg5[%add3A_329, %dma_start3A_404] : memref<256x100xi32, #tpu.memory_space<vmem>> -> memref<1x100xi32, #tpu.memory_space<vmem>>
      %dma_start3A_406 = tpu.memref_squeeze %dma_start3A_405 : memref<1x100xi32, #tpu.memory_space<vmem>> -> memref<100xi32, #tpu.memory_space<vmem>>
      %dma_start3A_407 = arith.constant 0 : i32
      %dma_start3A_408 = arith.constant 0 : i32
      %dma_start3A_409 = tpu.memref_slice %arg3[%dma_start3A_407, %dma_start3A_408] : memref<2000000x64xf32, #tpu.memory_space<hbm>> -> memref<2000000x64xf32, #tpu.memory_space<hbm>>
      tpu.enqueue_indirect_dma source(%dma_start3A_409 : memref<2000000x64xf32, #tpu.memory_space<hbm>>) target(%dma_start3A_403 : memref<100x64xf32, #tpu.memory_space<vmem>>) offsets(%dma_start3A_406 : memref<100xi32, #tpu.memory_space<vmem>>) semaphore(%arg8 : memref<!tpu.dma_semaphore, #tpu.memory_space<semaphore_mem>>)
      %dma_start3A_410 = arith.constant 1 : i32
      %dma_start3A_411 = arith.constant 3 : i32
      %dma_start3A_412 = arith.constant 0 : i32
      %dma_start3A_413 = arith.constant 0 : i32
      %dma_start3A_414 = tpu.memref_slice %arg6[%dma_start3A_410, %dma_start3A_411, %dma_start3A_412, %dma_start3A_413] : memref<2x4x200x64xf32, #tpu.memory_space<vmem>> -> memref<1x1x100x64xf32, #tpu.memory_space<vmem>>
      %dma_start3A_415 = tpu.memref_squeeze %dma_start3A_414 : memref<1x1x100x64xf32, #tpu.memory_space<vmem>> -> memref<100x64xf32, #tpu.memory_space<vmem>>
      %dma_start3A_416 = arith.constant 0 : i32
      %dma_start3A_417 = tpu.memref_slice %arg5[%add3A_333, %dma_start3A_416] : memref<256x100xi32, #tpu.memory_space<vmem>> -> memref<1x100xi32, #tpu.memory_space<vmem>>
      %dma_start3A_418 = tpu.memref_squeeze %dma_start3A_417 : memref<1x100xi32, #tpu.memory_space<vmem>> -> memref<100xi32, #tpu.memory_space<vmem>>
      %dma_start3A_419 = arith.constant 0 : i32
      %dma_start3A_420 = arith.constant 0 : i32
      %dma_start3A_421 = tpu.memref_slice %arg3[%dma_start3A_419, %dma_start3A_420] : memref<2000000x64xf32, #tpu.memory_space<hbm>> -> memref<2000000x64xf32, #tpu.memory_space<hbm>>
      tpu.enqueue_indirect_dma source(%dma_start3A_421 : memref<2000000x64xf32, #tpu.memory_space<hbm>>) target(%dma_start3A_415 : memref<100x64xf32, #tpu.memory_space<vmem>>) offsets(%dma_start3A_418 : memref<100xi32, #tpu.memory_space<vmem>>) semaphore(%arg8 : memref<!tpu.dma_semaphore, #tpu.memory_space<semaphore_mem>>)
      %dma_start3A_422 = arith.constant 1 : i32
      %dma_start3A_423 = arith.constant 3 : i32
      %dma_start3A_424 = arith.constant 100 : i32
      %dma_start3A_425 = arith.constant 0 : i32
      %dma_start3A_426 = tpu.memref_slice %arg6[%dma_start3A_422, %dma_start3A_423, %dma_start3A_424, %dma_start3A_425] : memref<2x4x200x64xf32, #tpu.memory_space<vmem>> -> memref<1x1x100x64xf32, #tpu.memory_space<vmem>>
      %dma_start3A_427 = tpu.memref_squeeze %dma_start3A_426 : memref<1x1x100x64xf32, #tpu.memory_space<vmem>> -> memref<100x64xf32, #tpu.memory_space<vmem>>
      %dma_start3A_428 = arith.constant 0 : i32
      %dma_start3A_429 = tpu.memref_slice %arg5[%add3A_337, %dma_start3A_428] : memref<256x100xi32, #tpu.memory_space<vmem>> -> memref<1x100xi32, #tpu.memory_space<vmem>>
      %dma_start3A_430 = tpu.memref_squeeze %dma_start3A_429 : memref<1x100xi32, #tpu.memory_space<vmem>> -> memref<100xi32, #tpu.memory_space<vmem>>
      %dma_start3A_431 = arith.constant 0 : i32
      %dma_start3A_432 = arith.constant 0 : i32
      %dma_start3A_433 = tpu.memref_slice %arg3[%dma_start3A_431, %dma_start3A_432] : memref<2000000x64xf32, #tpu.memory_space<hbm>> -> memref<2000000x64xf32, #tpu.memory_space<hbm>>
      tpu.enqueue_indirect_dma source(%dma_start3A_433 : memref<2000000x64xf32, #tpu.memory_space<hbm>>) target(%dma_start3A_427 : memref<100x64xf32, #tpu.memory_space<vmem>>) offsets(%dma_start3A_430 : memref<100xi32, #tpu.memory_space<vmem>>) semaphore(%arg8 : memref<!tpu.dma_semaphore, #tpu.memory_space<semaphore_mem>>)
      %dma_wait3A_434 = arith.constant 1 : i32
      %dma_wait3A_435 = arith.constant 0 : i32
      %dma_wait3A_436 = arith.constant 0 : i32
      %dma_wait3A_437 = arith.constant 0 : i32
      %dma_wait3A_438 = tpu.memref_slice %arg6[%dma_wait3A_434, %dma_wait3A_435, %dma_wait3A_436, %dma_wait3A_437] : memref<2x4x200x64xf32, #tpu.memory_space<vmem>> -> memref<1x1x100x64xf32, #tpu.memory_space<vmem>>
      %dma_wait3A_439 = tpu.memref_squeeze %dma_wait3A_438 : memref<1x1x100x64xf32, #tpu.memory_space<vmem>> -> memref<100x64xf32, #tpu.memory_space<vmem>>
      %dma_wait3A_440 = arith.constant 0 : i32
      %dma_wait3A_441 = tpu.memref_slice %arg5[%add3A_309, %dma_wait3A_440] : memref<256x100xi32, #tpu.memory_space<vmem>> -> memref<1x100xi32, #tpu.memory_space<vmem>>
      %dma_wait3A_442 = tpu.memref_squeeze %dma_wait3A_441 : memref<1x100xi32, #tpu.memory_space<vmem>> -> memref<100xi32, #tpu.memory_space<vmem>>
      %dma_wait3A_443 = arith.constant 0 : i32
      %dma_wait3A_444 = arith.constant 0 : i32
      %dma_wait3A_445 = tpu.memref_slice %arg3[%dma_wait3A_443, %dma_wait3A_444] : memref<2000000x64xf32, #tpu.memory_space<hbm>> -> memref<2000000x64xf32, #tpu.memory_space<hbm>>
      tpu.wait_indirect_dma semaphore(%arg8 : memref<!tpu.dma_semaphore, #tpu.memory_space<semaphore_mem>>) src(%dma_wait3A_445 : memref<2000000x64xf32, #tpu.memory_space<hbm>>) dst(%dma_wait3A_439 : memref<100x64xf32, #tpu.memory_space<vmem>>)
      %dma_wait3A_446 = arith.constant 1 : i32
      %dma_wait3A_447 = arith.constant 0 : i32
      %dma_wait3A_448 = arith.constant 100 : i32
      %dma_wait3A_449 = arith.constant 0 : i32
      %dma_wait3A_450 = tpu.memref_slice %arg6[%dma_wait3A_446, %dma_wait3A_447, %dma_wait3A_448, %dma_wait3A_449] : memref<2x4x200x64xf32, #tpu.memory_space<vmem>> -> memref<1x1x100x64xf32, #tpu.memory_space<vmem>>
      %dma_wait3A_451 = tpu.memref_squeeze %dma_wait3A_450 : memref<1x1x100x64xf32, #tpu.memory_space<vmem>> -> memref<100x64xf32, #tpu.memory_space<vmem>>
      %dma_wait3A_452 = arith.constant 0 : i32
      %dma_wait3A_453 = tpu.memref_slice %arg5[%add3A_313, %dma_wait3A_452] : memref<256x100xi32, #tpu.memory_space<vmem>> -> memref<1x100xi32, #tpu.memory_space<vmem>>
      %dma_wait3A_454 = tpu.memref_squeeze %dma_wait3A_453 : memref<1x100xi32, #tpu.memory_space<vmem>> -> memref<100xi32, #tpu.memory_space<vmem>>
      %dma_wait3A_455 = arith.constant 0 : i32
      %dma_wait3A_456 = arith.constant 0 : i32
      %dma_wait3A_457 = tpu.memref_slice %arg3[%dma_wait3A_455, %dma_wait3A_456] : memref<2000000x64xf32, #tpu.memory_space<hbm>> -> memref<2000000x64xf32, #tpu.memory_space<hbm>>
      tpu.wait_indirect_dma semaphore(%arg8 : memref<!tpu.dma_semaphore, #tpu.memory_space<semaphore_mem>>) src(%dma_wait3A_457 : memref<2000000x64xf32, #tpu.memory_space<hbm>>) dst(%dma_wait3A_451 : memref<100x64xf32, #tpu.memory_space<vmem>>)
      %dma_wait3A_458 = arith.constant 1 : i32
      %dma_wait3A_459 = arith.constant 1 : i32
      %dma_wait3A_460 = arith.constant 0 : i32
      %dma_wait3A_461 = arith.constant 0 : i32
      %dma_wait3A_462 = tpu.memref_slice %arg6[%dma_wait3A_458, %dma_wait3A_459, %dma_wait3A_460, %dma_wait3A_461] : memref<2x4x200x64xf32, #tpu.memory_space<vmem>> -> memref<1x1x100x64xf32, #tpu.memory_space<vmem>>
      %dma_wait3A_463 = tpu.memref_squeeze %dma_wait3A_462 : memref<1x1x100x64xf32, #tpu.memory_space<vmem>> -> memref<100x64xf32, #tpu.memory_space<vmem>>
      %dma_wait3A_464 = arith.constant 0 : i32
      %dma_wait3A_465 = tpu.memref_slice %arg5[%add3A_317, %dma_wait3A_464] : memref<256x100xi32, #tpu.memory_space<vmem>> -> memref<1x100xi32, #tpu.memory_space<vmem>>
      %dma_wait3A_466 = tpu.memref_squeeze %dma_wait3A_465 : memref<1x100xi32, #tpu.memory_space<vmem>> -> memref<100xi32, #tpu.memory_space<vmem>>
      %dma_wait3A_467 = arith.constant 0 : i32
      %dma_wait3A_468 = arith.constant 0 : i32
      %dma_wait3A_469 = tpu.memref_slice %arg3[%dma_wait3A_467, %dma_wait3A_468] : memref<2000000x64xf32, #tpu.memory_space<hbm>> -> memref<2000000x64xf32, #tpu.memory_space<hbm>>
      tpu.wait_indirect_dma semaphore(%arg8 : memref<!tpu.dma_semaphore, #tpu.memory_space<semaphore_mem>>) src(%dma_wait3A_469 : memref<2000000x64xf32, #tpu.memory_space<hbm>>) dst(%dma_wait3A_463 : memref<100x64xf32, #tpu.memory_space<vmem>>)
      %dma_wait3A_470 = arith.constant 1 : i32
      %dma_wait3A_471 = arith.constant 1 : i32
      %dma_wait3A_472 = arith.constant 100 : i32
      %dma_wait3A_473 = arith.constant 0 : i32
      %dma_wait3A_474 = tpu.memref_slice %arg6[%dma_wait3A_470, %dma_wait3A_471, %dma_wait3A_472, %dma_wait3A_473] : memref<2x4x200x64xf32, #tpu.memory_space<vmem>> -> memref<1x1x100x64xf32, #tpu.memory_space<vmem>>
      %dma_wait3A_475 = tpu.memref_squeeze %dma_wait3A_474 : memref<1x1x100x64xf32, #tpu.memory_space<vmem>> -> memref<100x64xf32, #tpu.memory_space<vmem>>
      %dma_wait3A_476 = arith.constant 0 : i32
      %dma_wait3A_477 = tpu.memref_slice %arg5[%add3A_321, %dma_wait3A_476] : memref<256x100xi32, #tpu.memory_space<vmem>> -> memref<1x100xi32, #tpu.memory_space<vmem>>
      %dma_wait3A_478 = tpu.memref_squeeze %dma_wait3A_477 : memref<1x100xi32, #tpu.memory_space<vmem>> -> memref<100xi32, #tpu.memory_space<vmem>>
      %dma_wait3A_479 = arith.constant 0 : i32
      %dma_wait3A_480 = arith.constant 0 : i32
      %dma_wait3A_481 = tpu.memref_slice %arg3[%dma_wait3A_479, %dma_wait3A_480] : memref<2000000x64xf32, #tpu.memory_space<hbm>> -> memref<2000000x64xf32, #tpu.memory_space<hbm>>
      tpu.wait_indirect_dma semaphore(%arg8 : memref<!tpu.dma_semaphore, #tpu.memory_space<semaphore_mem>>) src(%dma_wait3A_481 : memref<2000000x64xf32, #tpu.memory_space<hbm>>) dst(%dma_wait3A_475 : memref<100x64xf32, #tpu.memory_space<vmem>>)
      %dma_wait3A_482 = arith.constant 1 : i32
      %dma_wait3A_483 = arith.constant 2 : i32
      %dma_wait3A_484 = arith.constant 0 : i32
      %dma_wait3A_485 = arith.constant 0 : i32
      %dma_wait3A_486 = tpu.memref_slice %arg6[%dma_wait3A_482, %dma_wait3A_483, %dma_wait3A_484, %dma_wait3A_485] : memref<2x4x200x64xf32, #tpu.memory_space<vmem>> -> memref<1x1x100x64xf32, #tpu.memory_space<vmem>>
      %dma_wait3A_487 = tpu.memref_squeeze %dma_wait3A_486 : memref<1x1x100x64xf32, #tpu.memory_space<vmem>> -> memref<100x64xf32, #tpu.memory_space<vmem>>
      %dma_wait3A_488 = arith.constant 0 : i32
      %dma_wait3A_489 = tpu.memref_slice %arg5[%add3A_325, %dma_wait3A_488] : memref<256x100xi32, #tpu.memory_space<vmem>> -> memref<1x100xi32, #tpu.memory_space<vmem>>
      %dma_wait3A_490 = tpu.memref_squeeze %dma_wait3A_489 : memref<1x100xi32, #tpu.memory_space<vmem>> -> memref<100xi32, #tpu.memory_space<vmem>>
      %dma_wait3A_491 = arith.constant 0 : i32
      %dma_wait3A_492 = arith.constant 0 : i32
      %dma_wait3A_493 = tpu.memref_slice %arg3[%dma_wait3A_491, %dma_wait3A_492] : memref<2000000x64xf32, #tpu.memory_space<hbm>> -> memref<2000000x64xf32, #tpu.memory_space<hbm>>
      tpu.wait_indirect_dma semaphore(%arg8 : memref<!tpu.dma_semaphore, #tpu.memory_space<semaphore_mem>>) src(%dma_wait3A_493 : memref<2000000x64xf32, #tpu.memory_space<hbm>>) dst(%dma_wait3A_487 : memref<100x64xf32, #tpu.memory_space<vmem>>)
      %dma_wait3A_494 = arith.constant 1 : i32
      %dma_wait3A_495 = arith.constant 2 : i32
      %dma_wait3A_496 = arith.constant 100 : i32
      %dma_wait3A_497 = arith.constant 0 : i32
      %dma_wait3A_498 = tpu.memref_slice %arg6[%dma_wait3A_494, %dma_wait3A_495, %dma_wait3A_496, %dma_wait3A_497] : memref<2x4x200x64xf32, #tpu.memory_space<vmem>> -> memref<1x1x100x64xf32, #tpu.memory_space<vmem>>
      %dma_wait3A_499 = tpu.memref_squeeze %dma_wait3A_498 : memref<1x1x100x64xf32, #tpu.memory_space<vmem>> -> memref<100x64xf32, #tpu.memory_space<vmem>>
      %dma_wait3A_500 = arith.constant 0 : i32
      %dma_wait3A_501 = tpu.memref_slice %arg5[%add3A_329, %dma_wait3A_500] : memref<256x100xi32, #tpu.memory_space<vmem>> -> memref<1x100xi32, #tpu.memory_space<vmem>>
      %dma_wait3A_502 = tpu.memref_squeeze %dma_wait3A_501 : memref<1x100xi32, #tpu.memory_space<vmem>> -> memref<100xi32, #tpu.memory_space<vmem>>
      %dma_wait3A_503 = arith.constant 0 : i32
      %dma_wait3A_504 = arith.constant 0 : i32
      %dma_wait3A_505 = tpu.memref_slice %arg3[%dma_wait3A_503, %dma_wait3A_504] : memref<2000000x64xf32, #tpu.memory_space<hbm>> -> memref<2000000x64xf32, #tpu.memory_space<hbm>>
      tpu.wait_indirect_dma semaphore(%arg8 : memref<!tpu.dma_semaphore, #tpu.memory_space<semaphore_mem>>) src(%dma_wait3A_505 : memref<2000000x64xf32, #tpu.memory_space<hbm>>) dst(%dma_wait3A_499 : memref<100x64xf32, #tpu.memory_space<vmem>>)
      %dma_wait3A_506 = arith.constant 1 : i32
      %dma_wait3A_507 = arith.constant 3 : i32
      %dma_wait3A_508 = arith.constant 0 : i32
      %dma_wait3A_509 = arith.constant 0 : i32
      %dma_wait3A_510 = tpu.memref_slice %arg6[%dma_wait3A_506, %dma_wait3A_507, %dma_wait3A_508, %dma_wait3A_509] : memref<2x4x200x64xf32, #tpu.memory_space<vmem>> -> memref<1x1x100x64xf32, #tpu.memory_space<vmem>>
      %dma_wait3A_511 = tpu.memref_squeeze %dma_wait3A_510 : memref<1x1x100x64xf32, #tpu.memory_space<vmem>> -> memref<100x64xf32, #tpu.memory_space<vmem>>
      %dma_wait3A_512 = arith.constant 0 : i32
      %dma_wait3A_513 = tpu.memref_slice %arg5[%add3A_333, %dma_wait3A_512] : memref<256x100xi32, #tpu.memory_space<vmem>> -> memref<1x100xi32, #tpu.memory_space<vmem>>
      %dma_wait3A_514 = tpu.memref_squeeze %dma_wait3A_513 : memref<1x100xi32, #tpu.memory_space<vmem>> -> memref<100xi32, #tpu.memory_space<vmem>>
      %dma_wait3A_515 = arith.constant 0 : i32
      %dma_wait3A_516 = arith.constant 0 : i32
      %dma_wait3A_517 = tpu.memref_slice %arg3[%dma_wait3A_515, %dma_wait3A_516] : memref<2000000x64xf32, #tpu.memory_space<hbm>> -> memref<2000000x64xf32, #tpu.memory_space<hbm>>
      tpu.wait_indirect_dma semaphore(%arg8 : memref<!tpu.dma_semaphore, #tpu.memory_space<semaphore_mem>>) src(%dma_wait3A_517 : memref<2000000x64xf32, #tpu.memory_space<hbm>>) dst(%dma_wait3A_511 : memref<100x64xf32, #tpu.memory_space<vmem>>)
      %dma_wait3A_518 = arith.constant 1 : i32
      %dma_wait3A_519 = arith.constant 3 : i32
      %dma_wait3A_520 = arith.constant 100 : i32
      %dma_wait3A_521 = arith.constant 0 : i32
      %dma_wait3A_522 = tpu.memref_slice %arg6[%dma_wait3A_518, %dma_wait3A_519, %dma_wait3A_520, %dma_wait3A_521] : memref<2x4x200x64xf32, #tpu.memory_space<vmem>> -> memref<1x1x100x64xf32, #tpu.memory_space<vmem>>
      %dma_wait3A_523 = tpu.memref_squeeze %dma_wait3A_522 : memref<1x1x100x64xf32, #tpu.memory_space<vmem>> -> memref<100x64xf32, #tpu.memory_space<vmem>>
      %dma_wait3A_524 = arith.constant 0 : i32
      %dma_wait3A_525 = tpu.memref_slice %arg5[%add3A_337, %dma_wait3A_524] : memref<256x100xi32, #tpu.memory_space<vmem>> -> memref<1x100xi32, #tpu.memory_space<vmem>>
      %dma_wait3A_526 = tpu.memref_squeeze %dma_wait3A_525 : memref<1x100xi32, #tpu.memory_space<vmem>> -> memref<100xi32, #tpu.memory_space<vmem>>
      %dma_wait3A_527 = arith.constant 0 : i32
      %dma_wait3A_528 = arith.constant 0 : i32
      %dma_wait3A_529 = tpu.memref_slice %arg3[%dma_wait3A_527, %dma_wait3A_528] : memref<2000000x64xf32, #tpu.memory_space<hbm>> -> memref<2000000x64xf32, #tpu.memory_space<hbm>>
      tpu.wait_indirect_dma semaphore(%arg8 : memref<!tpu.dma_semaphore, #tpu.memory_space<semaphore_mem>>) src(%dma_wait3A_529 : memref<2000000x64xf32, #tpu.memory_space<hbm>>) dst(%dma_wait3A_523 : memref<100x64xf32, #tpu.memory_space<vmem>>)
      %mul3A_530 = arith.constant 4 : i32
      %mul3A_531 = arith.muli %add3A_300, %mul3A_530 : i32
      %add3A_532 = arith.addi %mul3A_4, %mul3A_531 : i32
      %dma_start3A_533 = arith.constant 1 : i32
      %dma_start3A_534 = arith.constant 0 : i32
      %dma_start3A_535 = arith.constant 0 : i32
      %dma_start3A_536 = arith.constant 0 : i32
      %dma_start3A_537 = tpu.memref_slice %arg6[%dma_start3A_533, %dma_start3A_534, %dma_start3A_535, %dma_start3A_536] : memref<2x4x200x64xf32, #tpu.memory_space<vmem>> -> memref<1x4x200x64xf32, #tpu.memory_space<vmem>>
      %dma_start3A_538 = tpu.memref_squeeze %dma_start3A_537 : memref<1x4x200x64xf32, #tpu.memory_space<vmem>> -> memref<4x200x64xf32, #tpu.memory_space<vmem>>
      %dma_start3A_539 = arith.constant 0 : i32
      %dma_start3A_540 = arith.constant 0 : i32
      %dma_start3A_541 = tpu.memref_slice %arg4[%add3A_532, %dma_start3A_539, %dma_start3A_540] : memref<4096x200x64xf32, #tpu.memory_space<hbm>> -> memref<4x200x64xf32, #tpu.memory_space<hbm>>
      %dma_start3A_542 = arith.constant 0 : i32
      %dma_start3A_543 = arith.constant 0 : i32
      %dma_start3A_544 = tpu.memref_slice %arg4[%add3A_532, %dma_start3A_542, %dma_start3A_543] : memref<4096x200x64xf32, #tpu.memory_space<hbm>> -> memref<4x200x64xf32, #tpu.memory_space<hbm>>
      %dma_start3A_545 = arith.constant 0 : i32
      %dma_start3A_546 = arith.constant 0 : i32
      %dma_start3A_547 = arith.constant 0 : i32
      %dma_start3A_548 = tpu.memref_slice %arg6[%dma_start3A_533, %dma_start3A_545, %dma_start3A_546, %dma_start3A_547] : memref<2x4x200x64xf32, #tpu.memory_space<vmem>> -> memref<1x4x200x64xf32, #tpu.memory_space<vmem>>
      %dma_start3A_549 = tpu.memref_squeeze %dma_start3A_548 : memref<1x4x200x64xf32, #tpu.memory_space<vmem>> -> memref<4x200x64xf32, #tpu.memory_space<vmem>>
      tpu.enqueue_dma source(%dma_start3A_549 : memref<4x200x64xf32, #tpu.memory_space<vmem>>) target(%dma_start3A_544 : memref<4x200x64xf32, #tpu.memory_space<hbm>>) target_semaphore(%arg10 : memref<!tpu.dma_semaphore, #tpu.memory_space<semaphore_mem>>)
    }
    %scan3A_9 = arith.constant 16 : i32
    %dma_wait3A = arith.constant 0 : i32
    %dma_wait3A_10 = arith.constant 0 : i32
    %dma_wait3A_11 = arith.constant 0 : i32
    %dma_wait3A_12 = arith.constant 0 : i32
    %dma_wait3A_13 = tpu.memref_slice %arg6[%dma_wait3A, %dma_wait3A_10, %dma_wait3A_11, %dma_wait3A_12] : memref<2x4x200x64xf32, #tpu.memory_space<vmem>> -> memref<1x4x200x64xf32, #tpu.memory_space<vmem>>
    %dma_wait3A_14 = tpu.memref_squeeze %dma_wait3A_13 : memref<1x4x200x64xf32, #tpu.memory_space<vmem>> -> memref<4x200x64xf32, #tpu.memory_space<vmem>>
    %dma_wait3A_15 = arith.constant 0 : i32
    %dma_wait3A_16 = arith.constant 0 : i32
    %dma_wait3A_17 = arith.constant 0 : i32
    %dma_wait3A_18 = tpu.memref_slice %arg4[%dma_wait3A_15, %dma_wait3A_16, %dma_wait3A_17] : memref<4096x200x64xf32, #tpu.memory_space<hbm>> -> memref<4x200x64xf32, #tpu.memory_space<hbm>>
    %dma_wait3A_19 = arith.constant 0 : i32
    %dma_wait3A_20 = arith.constant 0 : i32
    %dma_wait3A_21 = arith.constant 0 : i32
    %dma_wait3A_22 = tpu.memref_slice %arg4[%dma_wait3A_19, %dma_wait3A_20, %dma_wait3A_21] : memref<4096x200x64xf32, #tpu.memory_space<hbm>> -> memref<4x200x64xf32, #tpu.memory_space<hbm>>
    %dma_wait3A_23 = arith.constant 0 : i32
    %dma_wait3A_24 = arith.constant 0 : i32
    %dma_wait3A_25 = arith.constant 0 : i32
    %dma_wait3A_26 = tpu.memref_slice %arg6[%dma_wait3A, %dma_wait3A_23, %dma_wait3A_24, %dma_wait3A_25] : memref<2x4x200x64xf32, #tpu.memory_space<vmem>> -> memref<1x4x200x64xf32, #tpu.memory_space<vmem>>
    %dma_wait3A_27 = tpu.memref_squeeze %dma_wait3A_26 : memref<1x4x200x64xf32, #tpu.memory_space<vmem>> -> memref<4x200x64xf32, #tpu.memory_space<vmem>>
    tpu.wait_dma2 semaphore(%arg9 : memref<!tpu.dma_semaphore, #tpu.memory_space<semaphore_mem>>) src(%dma_wait3A_27 : memref<4x200x64xf32, #tpu.memory_space<vmem>>) dst(%dma_wait3A_22 : memref<4x200x64xf32, #tpu.memory_space<hbm>>)
    %dma_wait3A_28 = arith.constant 1 : i32
    %dma_wait3A_29 = arith.constant 0 : i32
    %dma_wait3A_30 = arith.constant 0 : i32
    %dma_wait3A_31 = arith.constant 0 : i32
    %dma_wait3A_32 = tpu.memref_slice %arg6[%dma_wait3A_28, %dma_wait3A_29, %dma_wait3A_30, %dma_wait3A_31] : memref<2x4x200x64xf32, #tpu.memory_space<vmem>> -> memref<1x4x200x64xf32, #tpu.memory_space<vmem>>
    %dma_wait3A_33 = tpu.memref_squeeze %dma_wait3A_32 : memref<1x4x200x64xf32, #tpu.memory_space<vmem>> -> memref<4x200x64xf32, #tpu.memory_space<vmem>>
    %dma_wait3A_34 = arith.constant 0 : i32
    %dma_wait3A_35 = arith.constant 0 : i32
    %dma_wait3A_36 = arith.constant 0 : i32
    %dma_wait3A_37 = tpu.memref_slice %arg4[%dma_wait3A_34, %dma_wait3A_35, %dma_wait3A_36] : memref<4096x200x64xf32, #tpu.memory_space<hbm>> -> memref<4x200x64xf32, #tpu.memory_space<hbm>>
    %dma_wait3A_38 = arith.constant 0 : i32
    %dma_wait3A_39 = arith.constant 0 : i32
    %dma_wait3A_40 = arith.constant 0 : i32
    %dma_wait3A_41 = tpu.memref_slice %arg4[%dma_wait3A_38, %dma_wait3A_39, %dma_wait3A_40] : memref<4096x200x64xf32, #tpu.memory_space<hbm>> -> memref<4x200x64xf32, #tpu.memory_space<hbm>>
    %dma_wait3A_42 = arith.constant 0 : i32
    %dma_wait3A_43 = arith.constant 0 : i32
    %dma_wait3A_44 = arith.constant 0 : i32
    %dma_wait3A_45 = tpu.memref_slice %arg6[%dma_wait3A_28, %dma_wait3A_42, %dma_wait3A_43, %dma_wait3A_44] : memref<2x4x200x64xf32, #tpu.memory_space<vmem>> -> memref<1x4x200x64xf32, #tpu.memory_space<vmem>>
    %dma_wait3A_46 = tpu.memref_squeeze %dma_wait3A_45 : memref<1x4x200x64xf32, #tpu.memory_space<vmem>> -> memref<4x200x64xf32, #tpu.memory_space<vmem>>
    tpu.wait_dma2 semaphore(%arg10 : memref<!tpu.dma_semaphore, #tpu.memory_space<semaphore_mem>>) src(%dma_wait3A_46 : memref<4x200x64xf32, #tpu.memory_space<vmem>>) dst(%dma_wait3A_41 : memref<4x200x64xf32, #tpu.memory_space<hbm>>)
    return
  }
}

</mosaic_0001>

<sc_bundles>
// kernel: kernel.3.cloned.1.call-start
scs
__scs_entry_jumppad:
0x0: {  	(pc) =	sbr.rel $0x88, $3  }
0x1: {  	(tag) =	ssettag $0x0;
	lr =	simm.s32 $0x1  }
0x2: {  	[smem:$0x3F9F] =	sst lr;
	_ =	strace $0xD0000000  }
0x3: {  	_ = 	snop  }
0x4: {  	_ = 	snop  }
0x5: {  	_ = 	snop  }
0x6: {  	_ = 	snop  }
0x7: {  	_ = 	snop  }
__scs_overlays_trampoline_lowered:
0x8: {  	[smem:$0x3FAE] =	sst s0  }
0x9: {  	[smem:$0x3FAF] =	sst s1  }
0xa: {  	[smem:$0x3FB0] =	sst s2  }
0xb: {  	[smem:$0x3FB1] =	sst s3  }
0xc: {  	[smem:$0x3FB2] =	sst s4  }
0xd: {  	[smem:$0x3FB3] =	sst s5  }
0xe: {  	[smem:$0x3FB4] =	sst s6  }
0xf: {  	[smem:$0x3FB5] =	sst s7  }
0x10: {  	[smem:$0x3FB6] =	sst s8  }
0x11: {  	[smem:$0x3FB7] =	sst s9;
	s0 =	simm.s32 @!p0 $0x0  }
0x12: {  	s1 =	sld [smem:$0x3F9D];
	s0 =	simm.s32 @p0 $0x1  }
0x13: {  	[smem:$0x3FB8] =	sst s0;
	s0 =	simm.s32 @!p1 $0x0  }
0x14: {  	s2 =	sld [smem:$0x3F9C];
	s0 =	simm.s32 @p1 $0x1  }
0x15: {  	[smem:$0x3FB9] =	sst s0;
	s0 =	simm.s32 @!p2 $0x0  }
0x16: {  	s3 =	sld [smem:$0x3FDB];
	s0 =	simm.s32 @p2 $0x1  }
0x17: {  	s4 =	simm.s32 $0x1BF5;
	[smem:$0x3FBB] =	sst s0  }
0x18: {  	s0 =	sld [smem:$0x3F9E];
	_ =	swait.ge [sflag:s4], $0x0  }
0x19: {  	s7 =	sld [smem:$0x3F9F]  }
0x1a: {  	s8 =	sadd.s32 $0xFFFFE003, lr  }
0x1b: {  	s9 =	sadd.s32 $0xFFFFFEF7, lr;
	s5 =	simm.s32 $0xFFFFFFFF;
	p2 =	slt.u32 s8, $0xFFFFF086  }
0x1c: {  	p1 =	slt.u32 s9, $0xF7A;
	s5 =	simm.s32 @!p2 $0x0  }
0x1d: {  	s5 =	simm.s32 @p1 $0x1;
	p0 =	seq.s32 s7, s2  }
0x1e: {  	s7 =	smul.u32 @!p0 $0xF7A, s2;
	p2 =	seq.s32 @!p0 s5, $0x0  }
0x1f: {  	s9 =	smul.u32 $0xF7A, s1;
	s8 =	simm.s32 @!p0 $0x1BF5;
	p2 =	por !p2, p0  }
0x20: {  	[sflag:s8] =	ssyncset.s32 @!p0 $0xFFFFF086;
	s6 =	sadd.s32 @!p0 s3, s7;
	s7 =	simm.s32 @!p0 $0x108  }
0x21: {  	s3 =	sadd.s32 s3, s9;
	s6 =	sadd.s32 @!p0 $0x88, s6;
	s7 =	simm.s32 @p2 $0x1082  }
0x22: {  	[simem:s7], [sflag:s8] =	dma.local @!p0 [hbm:s6], $0xF7A  }
0x23: {  	s9 =	sor.u32 $0xD0000000, s2;
	s6 =	simm.s32 $0x108;
	_ =	swait.ge @!p0 [sflag:s8], $0x0  }
0x24: {  	s3 =	sadd.s32 $0x88, s3;
	s6 =	simm.s32 @!p1 $0x1082;
	[sflag:s4] =	ssyncset.s32 $0xFFFFF086  }
0x25: {  	[simem:s6], [sflag:s4] =	dma.local [hbm:s3], $0xF7A  }
0x26: {  	[smem:$0x3F9F] =	sst s1;
	(tag) =	ssettag s2;
	_ =	strace s9  }
0x27: {  	s1 =	sld [smem:$0x3FAF]  }
0x28: {  	s2 =	sld [smem:$0x3FB0]  }
0x29: {  	s4 =	sld [smem:$0x3FB2]  }
0x2a: {  	p0 =	seq.s32 s5, $0x0;
	s5 =	sld [smem:$0x3FB3]  }
0x2b: {  	s6 =	sld [smem:$0x3FB4]  }
0x2c: {  	s7 =	sld [smem:$0x3FB5]  }
0x2d: {  	s3 =	simm.s32 $0x108;
	s8 =	sld [smem:$0x3FB6]  }
0x2e: {  	s3 =	simm.s32 @!p0 $0x1082;
	s9 =	sld [smem:$0x3FB7]  }
0x2f: {  	lr =	sadd.s32 s0, s3;
	s0 =	sld [smem:$0x3FAE]  }
0x30: {  	s3 =	sld [smem:$0x3FB1]  }
0x31: {  	[smem:$0x3FBA] =	sst s10  }
0x32: {  	s10 =	sld [smem:$0x3FB8];
	_ =	sdelay $0x3  }
0x33: {  	p0 =	seq.s32 s10, $0x1;
	s10 =	sld [smem:$0x3FBA];
	_ =	sdelay $0x3  }
0x34: {  	[smem:$0x3FBA] =	sst s10  }
0x35: {  	s10 =	sld [smem:$0x3FB9];
	_ =	sdelay $0x3  }
0x36: {  	p1 =	seq.s32 s10, $0x1;
	s10 =	sld [smem:$0x3FBA];
	_ =	sdelay $0x3  }
0x37: {  	[smem:$0x3FBA] =	sst s10  }
0x38: {  	s10 =	sld [smem:$0x3FBB]  }
0x39: {  	_ = 	snop;
	(pc) =	sbr.ind lr, $3  }
0x3a: {  	_ = 	snop  }
0x3b: {  	_ = 	snop  }
0x3c: {  	p2 =	seq.s32 s10, $0x1;
	s10 =	sld [smem:$0x3FBA]  }
0x3d: {  	_ =	shalt  }
0x3e: {  	_ =	shalt  }
0x3f: {  	_ =	shalt  }
0x40: {  	_ =	shalt  }
0x41: {  	_ =	shalt  }
0x42: {  	_ =	shalt  }
0x43: {  	_ =	shalt  }
0x44: {  	_ =	shalt  }
0x45: {  	_ =	shalt  }
0x46: {  	_ =	shalt  }
0x47: {  	_ =	shalt  }
0x48: {  	_ =	shalt  }
0x49: {  	_ =	shalt  }
0x4a: {  	_ =	shalt  }
0x4b: {  	_ =	shalt  }
0x4c: {  	_ =	shalt  }
0x4d: {  	_ =	shalt  }
0x4e: {  	_ =	shalt  }
0x4f: {  	_ =	shalt  }
0x50: {  	_ =	shalt  }
0x51: {  	_ =	shalt  }
0x52: {  	_ =	shalt  }
0x53: {  	_ =	shalt  }
0x54: {  	_ =	shalt  }
0x55: {  	_ =	shalt  }
0x56: {  	_ =	shalt  }
0x57: {  	_ =	shalt  }
0x58: {  	_ =	shalt  }
0x59: {  	_ =	shalt  }
0x5a: {  	_ =	shalt  }
0x5b: {  	_ =	shalt  }
0x5c: {  	_ =	shalt  }
0x5d: {  	_ =	shalt  }
0x5e: {  	_ =	shalt  }
0x5f: {  	_ =	shalt  }
0x60: {  	_ =	shalt  }
0x61: {  	_ =	shalt  }
0x62: {  	_ =	shalt  }
0x63: {  	_ =	shalt  }
0x64: {  	_ =	shalt  }
0x65: {  	_ =	shalt  }
0x66: {  	_ =	shalt  }
0x67: {  	_ =	shalt  }
0x68: {  	_ =	shalt  }
0x69: {  	_ =	shalt  }
0x6a: {  	_ =	shalt  }
0x6b: {  	_ =	shalt  }
0x6c: {  	_ =	shalt  }
0x6d: {  	_ =	shalt  }
0x6e: {  	_ =	shalt  }
0x6f: {  	_ =	shalt  }
0x70: {  	_ =	shalt  }
0x71: {  	_ =	shalt  }
0x72: {  	_ =	shalt  }
0x73: {  	_ =	shalt  }
0x74: {  	_ =	shalt  }
0x75: {  	_ =	shalt  }
0x76: {  	_ =	shalt  }
0x77: {  	_ =	shalt  }
0x78: {  	_ =	shalt  }
0x79: {  	_ =	shalt  }
0x7a: {  	_ =	shalt  }
0x7b: {  	_ =	shalt  }
0x7c: {  	_ =	shalt  }
0x7d: {  	_ =	shalt  }
0x7e: {  	_ =	shalt  }
0x7f: {  	_ =	shalt  }
0x80: {  	_ =	shalt  }
0x81: {  	_ =	shalt  }
0x82: {  	_ =	shalt  }
0x83: {  	_ =	shalt  }
0x84: {  	_ =	shalt  }
0x85: {  	_ =	shalt  }
0x86: {  	_ =	shalt  }
0x87: {  	_ =	shalt  }
.Lfunc_end0:
.L_simem_size_0:
called_computation.2_lowered:
.L_overlay_start_0:
0x88: {  	s2 =	sld [smem:$0x3FD9]  }
0x89: {  	s3 =	sld [smem:$0x3FFE];
	_ =	sdelay $0x1  }
0x8a: {  	s1 =	srdreg.scid  }
0x8b: {  	s0 =	sand.u32 $0x1, s1  }
0x8c: {  	s17 =	sshll.u32 s0, $0xA;
	s2 =	sadd.s32 s3, s2  }
0x8d: {  	s2 =	sadd.s32 s2, s17  }
0x8e: {  	[smem:$0x3FC6] =	sst s2  }
0x8f: {  	_ = 	snop  }
0x90: {  	s2 =	sld [smem:$0x3FD0];
	(tm) =	ssettm $0x1  }
0x91: {  	s18 =	sld [smem:$0x3FFB];
	_ =	sdelay $0x3  }
0x92: {  	_ =	strace s18  }
0x93: {  	s3 =	sld [smem:$0x3FFC];
	_ =	sdelay $0x3  }
0x94: {  	_ =	strace s3  }
0x95: {  	s3 =	sld [smem:$0x3FFD];
	_ =	sdelay $0x3  }
0x96: {  	_ =	strace s3  }
0x97: {  	_ =	strace $0x8FFFFFFF  }
0x98: {  	s19 =	sld [smem:$0x3FDB];
	_ =	sdelay $0x1  }
0x99: {  	s4 =	simm.s32 $_scs_section_size  }
0x9a: {  	s5 =	simm.s32 $_size__tile_overlayer_lowered;
	s6 =	simm.s32 $_tile_overlayer_lowered  }
0x9b: {  	s22 =	simm.s32 $0x1BFF;
	s21 =	sshll.u32 s6, $0x1;
	s3 =	sadd.s32 s4, s19  }
0x9c: {  	s7 =	simm.s32 $0x0;
	s20 =	sshll.u32 s5, $0x1;
	s5 =	sadd.s32 s21, s3  }
0x9d: {  	[timem:s7], [sflag:s22] =	dma.local [hbm:s5], s20  }
0x9e: {  	_ =	swait.ge [sflag:s22], s20  }
0x9f: {  	s4 =	ssub.s32 $0x0, s20;
	[sflag:s22] =	ssyncset.done $0x0  }
0xa0: {  	[sflag:s22] =	ssyncadd.s32 s4;
	_ =	sdelay $0x1  }
0xa1: {  	s23 =	simm.s32 $0x1B8B  }
0xa2: {  	_ =	swait.ge [sflag:s23], $0x1  }
0xa3: {  	[sflag:s23] =	ssyncset.done $0x0  }
0xa4: {  	s25 =	simm.s32 $0x1B8E;
	s24 =	sld [smem:$0x3FFE];
	[sflag:s23] =	ssyncadd.s32 $0xFFFFFFFF  }
0xa5: {  	s26 =	simm.s32 $execute0_lowered;
	[smem:$0x3FD2] =	sst s25  }
0xa6: {  	s5 =	sshll.u32 s26, $0x1;
	_ =	strace $0x80000049;
	[dreg:$0x1] =	wrdreg $0xFFFFFFFF  }
0xa7: {  	s28 =	simm.s32 $_size_execute0_lowered;
	s3 =	sadd.s32 s3, s5;
	[dreg:$0x0] =	wrdreg $0x0  }
0xa8: {  	s5 =	sshll.u32 s28, $0x1;
	[dreg:$0x2] =	wrdreg s3  }
0xa9: {  	[dreg:$0x3] =	wrdreg s5  }
0xaa: {  	[dreg:$0x4] =	wrdreg $0xC0  }
0xab: {  	_ =	task [dreg:s7], $0x5FFFF  }
0xac: {  	[dreg:$0x1] =	wrdreg $0xFFFFFFFF  }
0xad: {  	[dreg:$0x0] =	wrdreg $0x60  }
0xae: {  	[dreg:$0x2] =	wrdreg s24  }
0xaf: {  	[dreg:$0x3] =	wrdreg s2  }
0xb0: {  	[dreg:$0x4] =	wrdreg $0x9  }
0xb1: {  	_ =	task.clear_ibuf [dreg:s7], $0x5FFFF;
	_ =	strace $0x90000049  }
0xb2: {  	s29 =	simm.s32 $0x9;
	_ =	strace $0x8000004B  }
0xb3: {  	_ =	swait.ge [sflag:s29], $0x1  }
0xb4: {  	[sflag:s29] =	ssyncadd.s32 $0xFFFFFFFF  }
0xb5: {  	_ =	strace $0x9000004B  }
0xb6: {  	_ =	sfence  }
0xb7: {  	s30 =	sld [smem:$0x0];
	_ =	sdelay $0x2  }
0xb8: {  	s31 =	sshll.u32 s1, $0xD;
	s1 =	sshrl.u32 s1, $0x2  }
0xb9: {  	s3 =	sand.u32 $0x4000, s31;
	s1 =	sadd.s32 s1, s30  }
0xba: {  	s0 =	sor.u32 s3, s0;
	s1 =	sshll.u32 s1, $0x11  }
0xbb: {  	s0 =	sor.u32 s1, s0  }
0xbc: {  	s0 =	sadd.s32 $0x8F2B, s0  }
0xbd: {  	[sflag:s0] =	ssyncadd.remote.s32 $0x1  }
0xbe: {  	_ =	sfence.sel $0xFFFF  }
0xbf: {  	[dreg:$0x0] =	wrdreg $0xFFFFFFFF;
	(pc) =	sbr.abs _section_cstart, $3  }
0xc0: {  	[dreg:$0x1] =	wrdreg $0xFFFFFFFF  }
0xc1: {  	_ =	task.clear_ibuf [dreg:s7], $0x2FFFF;
	_ =	strace $0x9FFFFFFF  }
0xc2: {  	(tm) =	ssettm $0x7FFFFFFF  }
0xc3: {  	_ =	shalt  }
tec
execute0_lowered:
.L_overlay_start_1:
0x0: {  	(tag) =	ssettag $0x1  }
0x1: {  	s3 =	rddreg [dreg:$0x0];
	s1 =	srdreg.scid  }
0x2: {  	s0 =	stileid.u32;
	s6 =	rddreg [dreg:$0x1];
	s2 =	simm.s32 $0x0  }
0x3: {  	s24 =	simm.s32 $0x8100;
	s25 =	simm.s32 $0x9A00;
	s26 =	simm.s32 $0xB300  }
0x4: {  	s28 =	simm.s32 $0xCC00;
	s29 =	simm.s32 $0xE500;
	s30 =	simm.s32 $0xFE00  }
0x5: {  	s31 =	simm.s32 $0x11700;
	s7 =	sand.u32 $0x1, s1;
	s1 =	rddreg [dreg:$0x2]  }
0x6: {  	s10 =	simm.s32 $0x14900;
	s12 =	simm.s32 $0x16200;
	[smem:$0x7FF] =	sst s2  }
0x7: {  	s11 =	simm.s32 $0x13000;
	_ =	strace $0x8000004A;
	[dreg:$0x3] =	wrdreg s24  }
0x8: {  	s13 =	simm.s32 $0x19400;
	s14 =	simm.s32 $0x1AD00;
	[dreg:$0x4] =	wrdreg s25  }
0x9: {  	s15 =	simm.s32 $0x1C600;
	s16 =	simm.s32 $0x1DF00;
	[dreg:$0x5] =	wrdreg s26  }
0xa: {  	s17 =	simm.s32 $0x2;
	s18 =	simm.s32 $0x3;
	[dreg:$0x6] =	wrdreg s28  }
0xb: {  	s19 =	simm.s32 $0x4;
	s20 =	simm.s32 $0x0;
	[dreg:$0x7] =	wrdreg s29  }
0xc: {  	s4 =	sshll.u32 s0, $0x1;
	s9 =	smul.u32 $0x64000, s0;
	[dreg:$0x8] =	wrdreg s30  }
0xd: {  	s4 =	sor.u32 s7, s4;
	s5 =	ssub.s32 $0x2, s7;
	[dreg:$0x9] =	wrdreg s31  }
0xe: {  	s7 =	smul.u32 $0x32000, s7;
	[dreg:$0xa] =	wrdreg s10;
	s10 =	simm.s32 $0x1  }
0xf: {  	[dreg:$0xb] =	wrdreg s12;
	s12 =	simm.s32 $0x17B00;
	s4 =	smul.u32 $0xD00, s4  }
0x10: {  	s8 =	sshrl.u32 s5, $0x1;
	s6 =	sadd.s32 s9, s6;
	s9 =	simm.s32 $0x6800  }
0x11: {  	s5 =	ssub.s32 s5, s8;
	s6 =	sadd.s32 s7, s6;
	s7 =	simm.s32 $0x5  }
0x12: {  	s8 =	simm.s32 $0x64;
	s4 =	sadd.s32 s4, s3;
	s3 =	sadd.s32 $0xF5D200, s3  }
0x13: {  	s5 =	smax.u32 s5, $0x1;
	s6 =	sadd.s32 $0x1900, s6;
	s4 =	sadd.s32 $0xF43200, s4  }
.LBB2_1:
0x14: {  	[tilespmem:s2], [sflag:$0x5] =	stream.linear.gather [hbm4b:s4+s2], $0x6800, $0x38;
	[tilespmem:$0x1F800] =	vst v63  }
0x15: {  	_ =	swait.ge [sflag:s7], $0x6800  }
0x16: {  	p0 =	por $0x1, $0x1;
	[sflag:s7] =	ssyncset.done $0x0  }
0x17: {  	s21 =	simm.s32 @!p0 $0x3;
	[sflag:s7] =	ssyncadd.s32 $0xFFFF9800  }
0x18: {  	_ =	swait.ge @!p0 [sflag:s21], $0xC800  }
0x19: {  	[sflag:s21] =	ssyncset.done @!p0 $0x0  }
0x1a: {  	s23 =	simm.s32 $0x0;
	[sflag:s21] =	ssyncadd.s32 @!p0 $0xFFFF3800  }
0x1b: {  	[tilespmem:s9], [sflag:$0x1] =	stream.indirect.gather [hbm4b:s3+s8], $0x40, s23, s8, $0xb8;
	[tilespmem:$0x1F800] =	vst v63  }
0x1c: {  	s24 =	simm.s32 $0x68;
	s22 =	rddreg [dreg:$0x3]  }
0x1d: {  	[tilespmem:s22], [sflag:$0x1] =	stream.indirect.gather [hbm4b:s3+s8], $0x40, s24, s8, $0xb8;
	[tilespmem:$0x1F800] =	vst v63  }
0x1e: {  	s25 =	simm.s32 $0xD0;
	s23 =	rddreg [dreg:$0x4]  }
0x1f: {  	[tilespmem:s23], [sflag:$0x1] =	stream.indirect.gather [hbm4b:s3+s8], $0x40, s25, s8, $0xb8;
	[tilespmem:$0x1F800] =	vst v63  }
0x20: {  	s28 =	simm.s32 $0x138;
	s26 =	rddreg [dreg:$0x5]  }
0x21: {  	[tilespmem:s26], [sflag:$0x1] =	stream.indirect.gather [hbm4b:s3+s8], $0x40, s28, s8, $0xb8;
	[tilespmem:$0x1F800] =	vst v63  }
0x22: {  	s30 =	simm.s32 $0x1A0;
	s29 =	rddreg [dreg:$0x6]  }
0x23: {  	[tilespmem:s29], [sflag:$0x1] =	stream.indirect.gather [hbm4b:s3+s8], $0x40, s30, s8, $0xb8;
	[tilespmem:$0x1F800] =	vst v63  }
0x24: {  	s31 =	rddreg [dreg:$0x7];
	s23 =	simm.s32 $0x208  }
0x25: {  	[tilespmem:s31], [sflag:$0x1] =	stream.indirect.gather [hbm4b:s3+s8], $0x40, s23, s8, $0xb8;
	[tilespmem:$0x1F800] =	vst v63  }
0x26: {  	s24 =	rddreg [dreg:$0x8];
	s25 =	simm.s32 $0x270  }
0x27: {  	[tilespmem:s24], [sflag:$0x1] =	stream.indirect.gather [hbm4b:s3+s8], $0x40, s25, s8, $0xb8;
	[tilespmem:$0x1F800] =	vst v63  }
0x28: {  	s26 =	rddreg [dreg:$0x9];
	s28 =	simm.s32 $0x2D8  }
0x29: {  	[tilespmem:s26], [sflag:$0x1] =	stream.indirect.gather [hbm4b:s3+s8], $0x40, s28, s8, $0xb8;
	[tilespmem:$0x1F800] =	vst v63  }
0x2a: {  	_ =	swait.ge [sflag:s10], $0x1900  }
0x2b: {  	[sflag:s10] =	ssyncset.done $0x0  }
0x2c: {  	[sflag:s10] =	ssyncadd.s32 $0xFFFFE700  }
0x2d: {  	_ =	swait.ge [sflag:s10], $0x1900  }
0x2e: {  	[sflag:s10] =	ssyncset.done $0x0  }
0x2f: {  	[sflag:s10] =	ssyncadd.s32 $0xFFFFE700  }
0x30: {  	_ =	swait.ge [sflag:s10], $0x1900  }
0x31: {  	[sflag:s10] =	ssyncset.done $0x0  }
0x32: {  	[sflag:s10] =	ssyncadd.s32 $0xFFFFE700  }
0x33: {  	_ =	swait.ge [sflag:s10], $0x1900  }
0x34: {  	[sflag:s10] =	ssyncset.done $0x0  }
0x35: {  	[sflag:s10] =	ssyncadd.s32 $0xFFFFE700  }
0x36: {  	_ =	swait.ge [sflag:s10], $0x1900  }
0x37: {  	[sflag:s10] =	ssyncset.done $0x0  }
0x38: {  	[sflag:s10] =	ssyncadd.s32 $0xFFFFE700  }
0x39: {  	_ =	swait.ge [sflag:s10], $0x1900  }
0x3a: {  	[sflag:s10] =	ssyncset.done $0x0  }
0x3b: {  	[sflag:s10] =	ssyncadd.s32 $0xFFFFE700  }
0x3c: {  	_ =	swait.ge [sflag:s10], $0x1900  }
0x3d: {  	[sflag:s10] =	ssyncset.done $0x0  }
0x3e: {  	[sflag:s10] =	ssyncadd.s32 $0xFFFFE700  }
0x3f: {  	_ =	swait.ge [sflag:s10], $0x1900  }
0x40: {  	[sflag:s10] =	ssyncset.done $0x0  }
0x41: {  	s22 =	simm.s32 @!p0 $0x4;
	s29 =	sadd.s32 $0xFFFFE700, s6;
	[sflag:s10] =	ssyncadd.s32 $0xFFFFE700  }
0x42: {  	[hbm4b:s29+s2] =	stream.linear.scatter [tilespmem:s9], [sflag:$0x3], $0xC800, $0x38;
	[tilespmem:$0x1F800] =	vst v63  }
0x43: {  	_ =	swait.ge @!p0 [sflag:s22], $0xC800  }
0x44: {  	[sflag:s22] =	ssyncset.done @!p0 $0x0  }
0x45: {  	s30 =	simm.s32 $0x340;
	[sflag:s22] =	ssyncadd.s32 @!p0 $0xFFFF3800  }
0x46: {  	[tilespmem:s11], [sflag:$0x2] =	stream.indirect.gather [hbm4b:s3+s8], $0x40, s30, s8, $0xb8;
	[tilespmem:$0x1F800] =	vst v63  }
0x47: {  	s23 =	simm.s32 $0x3A8;
	s31 =	rddreg [dreg:$0xa]  }
0x48: {  	[tilespmem:s31], [sflag:$0x2] =	stream.indirect.gather [hbm4b:s3+s8], $0x40, s23, s8, $0xb8;
	[tilespmem:$0x1F800] =	vst v63  }
0x49: {  	s25 =	simm.s32 $0x410;
	s24 =	rddreg [dreg:$0xb]  }
0x4a: {  	[tilespmem:s24], [sflag:$0x2] =	stream.indirect.gather [hbm4b:s3+s8], $0x40, s25, s8, $0xb8;
	[tilespmem:$0x1F800] =	vst v63  }
0x4b: {  	s26 =	simm.s32 $0x478  }
0x4c: {  	[tilespmem:s12], [sflag:$0x2] =	stream.indirect.gather [hbm4b:s3+s8], $0x40, s26, s8, $0xb8;
	[tilespmem:$0x1F800] =	vst v63  }
0x4d: {  	s28 =	simm.s32 $0x4E0  }
0x4e: {  	[tilespmem:s13], [sflag:$0x2] =	stream.indirect.gather [hbm4b:s3+s8], $0x40, s28, s8, $0xb8;
	[tilespmem:$0x1F800] =	vst v63  }
0x4f: {  	s29 =	simm.s32 $0x548  }
0x50: {  	[tilespmem:s14], [sflag:$0x2] =	stream.indirect.gather [hbm4b:s3+s8], $0x40, s29, s8, $0xb8;
	[tilespmem:$0x1F800] =	vst v63  }
0x51: {  	s30 =	simm.s32 $0x5B0  }
0x52: {  	[tilespmem:s15], [sflag:$0x2] =	stream.indirect.gather [hbm4b:s3+s8], $0x40, s30, s8, $0xb8;
	[tilespmem:$0x1F800] =	vst v63  }
0x53: {  	s31 =	simm.s32 $0x618  }
0x54: {  	[tilespmem:s16], [sflag:$0x2] =	stream.indirect.gather [hbm4b:s3+s8], $0x40, s31, s8, $0xb8;
	[tilespmem:$0x1F800] =	vst v63  }
0x55: {  	_ =	swait.ge [sflag:s17], $0x1900  }
0x56: {  	[sflag:s17] =	ssyncset.done $0x0  }
0x57: {  	[sflag:s17] =	ssyncadd.s32 $0xFFFFE700  }
0x58: {  	_ =	swait.ge [sflag:s17], $0x1900  }
0x59: {  	[sflag:s17] =	ssyncset.done $0x0  }
0x5a: {  	[sflag:s17] =	ssyncadd.s32 $0xFFFFE700  }
0x5b: {  	_ =	swait.ge [sflag:s17], $0x1900  }
0x5c: {  	[sflag:s17] =	ssyncset.done $0x0  }
0x5d: {  	[sflag:s17] =	ssyncadd.s32 $0xFFFFE700  }
0x5e: {  	_ =	swait.ge [sflag:s17], $0x1900  }
0x5f: {  	[sflag:s17] =	ssyncset.done $0x0  }
0x60: {  	[sflag:s17] =	ssyncadd.s32 $0xFFFFE700  }
0x61: {  	_ =	swait.ge [sflag:s17], $0x1900  }
0x62: {  	[sflag:s17] =	ssyncset.done $0x0  }
0x63: {  	[sflag:s17] =	ssyncadd.s32 $0xFFFFE700  }
0x64: {  	_ =	swait.ge [sflag:s17], $0x1900  }
0x65: {  	[sflag:s17] =	ssyncset.done $0x0  }
0x66: {  	[sflag:s17] =	ssyncadd.s32 $0xFFFFE700  }
0x67: {  	_ =	swait.ge [sflag:s17], $0x1900  }
0x68: {  	[sflag:s17] =	ssyncset.done $0x0  }
0x69: {  	p1 =	por $0x0, $0x0;
	[sflag:s17] =	ssyncadd.s32 $0xFFFFE700  }
0x6a: {  	s21 =	sadd.s32 $0x3200, s6;
	s22 =	simm.s32 $0x1A00;
	_ =	swait.ge [sflag:s17], $0x1900  }
0x6b: {  	s23 =	simm.s32 $0x3400;
	s24 =	smov.u32 s6;
	[sflag:s17] =	ssyncset.done $0x0  }
.LBB2_2:
0x6c: {  	s25 =	simm.s32 @!p1 $0x3;
	[sflag:s17] =	ssyncadd.s32 $0xFFFFE700  }
0x6d: {  	[hbm4b:s24+s2] =	stream.linear.scatter [tilespmem:s11], [sflag:$0x4], $0xC800, $0x38;
	[tilespmem:$0x1F800] =	vst v63  }
0x6e: {  	_ =	swait.ge @!p1 [sflag:s25], $0xC800  }
0x6f: {  	[sflag:s25] =	ssyncset.done @!p1 $0x0  }
0x70: {  	[sflag:s25] =	ssyncadd.s32 @!p1 $0xFFFF3800;
	s25 =	sshra.s32 s22, $0x2  }
0x71: {  	[tilespmem:s9], [sflag:$0x1] =	stream.indirect.gather [hbm4b:s3+s8], $0x40, s25, s8, $0xb8;
	[tilespmem:$0x1F800] =	vst v63  }
0x72: {  	s28 =	rddreg [dreg:$0x3];
	s29 =	sadd.s32 $0x68, s25  }
0x73: {  	[tilespmem:s28], [sflag:$0x1] =	stream.indirect.gather [hbm4b:s3+s8], $0x40, s29, s8, $0xb8;
	[tilespmem:$0x1F800] =	vst v63  }
0x74: {  	s30 =	rddreg [dreg:$0x4];
	s29 =	sadd.s32 $0xD0, s25  }
0x75: {  	[tilespmem:s30], [sflag:$0x1] =	stream.indirect.gather [hbm4b:s3+s8], $0x40, s29, s8, $0xb8;
	[tilespmem:$0x1F800] =	vst v63  }
0x76: {  	s31 =	sadd.s32 $0x138, s25;
	s28 =	rddreg [dreg:$0x5]  }
0x77: {  	[tilespmem:s28], [sflag:$0x1] =	stream.indirect.gather [hbm4b:s3+s8], $0x40, s31, s8, $0xb8;
	[tilespmem:$0x1F800] =	vst v63  }
0x78: {  	s29 =	rddreg [dreg:$0x6];
	s30 =	sadd.s32 $0x1A0, s25  }
0x79: {  	[tilespmem:s29], [sflag:$0x1] =	stream.indirect.gather [hbm4b:s3+s8], $0x40, s30, s8, $0xb8;
	[tilespmem:$0x1F800] =	vst v63  }
0x7a: {  	s31 =	rddreg [dreg:$0x7];
	s30 =	sadd.s32 $0x208, s25  }
0x7b: {  	[tilespmem:s31], [sflag:$0x1] =	stream.indirect.gather [hbm4b:s3+s8], $0x40, s30, s8, $0xb8;
	[tilespmem:$0x1F800] =	vst v63  }
0x7c: {  	s29 =	rddreg [dreg:$0x8];
	s31 =	sadd.s32 $0x270, s25  }
0x7d: {  	[tilespmem:s29], [sflag:$0x1] =	stream.indirect.gather [hbm4b:s3+s8], $0x40, s31, s8, $0xb8;
	[tilespmem:$0x1F800] =	vst v63  }
0x7e: {  	s30 =	rddreg [dreg:$0x9];
	s31 =	sadd.s32 $0x2D8, s25  }
0x7f: {  	[tilespmem:s30], [sflag:$0x1] =	stream.indirect.gather [hbm4b:s3+s8], $0x40, s31, s8, $0xb8;
	[tilespmem:$0x1F800] =	vst v63  }
0x80: {  	_ =	swait.ge [sflag:s10], $0x1900  }
0x81: {  	[sflag:s10] =	ssyncset.done $0x0  }
0x82: {  	[sflag:s10] =	ssyncadd.s32 $0xFFFFE700  }
0x83: {  	_ =	swait.ge [sflag:s10], $0x1900  }
0x84: {  	[sflag:s10] =	ssyncset.done $0x0  }
0x85: {  	[sflag:s10] =	ssyncadd.s32 $0xFFFFE700  }
0x86: {  	_ =	swait.ge [sflag:s10], $0x1900  }
0x87: {  	[sflag:s10] =	ssyncset.done $0x0  }
0x88: {  	[sflag:s10] =	ssyncadd.s32 $0xFFFFE700  }
0x89: {  	_ =	swait.ge [sflag:s10], $0x1900  }
0x8a: {  	[sflag:s10] =	ssyncset.done $0x0  }
0x8b: {  	[sflag:s10] =	ssyncadd.s32 $0xFFFFE700  }
0x8c: {  	_ =	swait.ge [sflag:s10], $0x1900  }
0x8d: {  	[sflag:s10] =	ssyncset.done $0x0  }
0x8e: {  	[sflag:s10] =	ssyncadd.s32 $0xFFFFE700  }
0x8f: {  	_ =	swait.ge [sflag:s10], $0x1900  }
0x90: {  	[sflag:s10] =	ssyncset.done $0x0  }
0x91: {  	[sflag:s10] =	ssyncadd.s32 $0xFFFFE700  }
0x92: {  	_ =	swait.ge [sflag:s10], $0x1900  }
0x93: {  	[sflag:s10] =	ssyncset.done $0x0  }
0x94: {  	[sflag:s10] =	ssyncadd.s32 $0xFFFFE700  }
0x95: {  	_ =	swait.ge [sflag:s10], $0x1900  }
0x96: {  	[sflag:s10] =	ssyncset.done $0x0  }
0x97: {  	s28 =	simm.s32 @!p1 $0x4;
	s29 =	sadd.s32 $0xFFFFE700, s21;
	[sflag:s10] =	ssyncadd.s32 $0xFFFFE700  }
0x98: {  	[hbm4b:s29+s2] =	stream.linear.scatter [tilespmem:s9], [sflag:$0x3], $0xC800, $0x38;
	[tilespmem:$0x1F800] =	vst v63  }
0x99: {  	_ =	swait.ge @!p1 [sflag:s28], $0xC800  }
0x9a: {  	[sflag:s28] =	ssyncset.done @!p1 $0x0  }
0x9b: {  	s30 =	sadd.s32 $0x340, s25;
	[sflag:s28] =	ssyncadd.s32 @!p1 $0xFFFF3800  }
0x9c: {  	[tilespmem:s11], [sflag:$0x2] =	stream.indirect.gather [hbm4b:s3+s8], $0x40, s30, s8, $0xb8;
	[tilespmem:$0x1F800] =	vst v63  }
0x9d: {  	s31 =	sadd.s32 $0x3A8, s25;
	s28 =	rddreg [dreg:$0xa]  }
0x9e: {  	[tilespmem:s28], [sflag:$0x2] =	stream.indirect.gather [hbm4b:s3+s8], $0x40, s31, s8, $0xb8;
	[tilespmem:$0x1F800] =	vst v63  }
0x9f: {  	s30 =	rddreg [dreg:$0xb];
	s31 =	sadd.s32 $0x410, s25  }
0xa0: {  	[tilespmem:s30], [sflag:$0x2] =	stream.indirect.gather [hbm4b:s3+s8], $0x40, s31, s8, $0xb8;
	[tilespmem:$0x1F800] =	vst v63  }
0xa1: {  	s28 =	sadd.s32 $0x478, s25  }
0xa2: {  	[tilespmem:s12], [sflag:$0x2] =	stream.indirect.gather [hbm4b:s3+s8], $0x40, s28, s8, $0xb8;
	[tilespmem:$0x1F800] =	vst v63  }
0xa3: {  	s29 =	sadd.s32 $0x4E0, s25  }
0xa4: {  	[tilespmem:s13], [sflag:$0x2] =	stream.indirect.gather [hbm4b:s3+s8], $0x40, s29, s8, $0xb8;
	[tilespmem:$0x1F800] =	vst v63  }
0xa5: {  	s30 =	sadd.s32 $0x548, s25  }
0xa6: {  	[tilespmem:s14], [sflag:$0x2] =	stream.indirect.gather [hbm4b:s3+s8], $0x40, s30, s8, $0xb8;
	[tilespmem:$0x1F800] =	vst v63  }
0xa7: {  	s31 =	sadd.s32 $0x5B0, s25  }
0xa8: {  	[tilespmem:s15], [sflag:$0x2] =	stream.indirect.gather [hbm4b:s3+s8], $0x40, s31, s8, $0xb8;
	[tilespmem:$0x1F800] =	vst v63  }
0xa9: {  	s25 =	sadd.s32 $0x618, s25  }
0xaa: {  	[tilespmem:s16], [sflag:$0x2] =	stream.indirect.gather [hbm4b:s3+s8], $0x40, s25, s8, $0xb8;
	[tilespmem:$0x1F800] =	vst v63  }
0xab: {  	_ =	swait.ge [sflag:s17], $0x1900  }
0xac: {  	[sflag:s17] =	ssyncset.done $0x0  }
0xad: {  	[sflag:s17] =	ssyncadd.s32 $0xFFFFE700  }
0xae: {  	_ =	swait.ge [sflag:s17], $0x1900  }
0xaf: {  	[sflag:s17] =	ssyncset.done $0x0  }
0xb0: {  	[sflag:s17] =	ssyncadd.s32 $0xFFFFE700  }
0xb1: {  	_ =	swait.ge [sflag:s17], $0x1900  }
0xb2: {  	[sflag:s17] =	ssyncset.done $0x0  }
0xb3: {  	[sflag:s17] =	ssyncadd.s32 $0xFFFFE700  }
0xb4: {  	_ =	swait.ge [sflag:s17], $0x1900  }
0xb5: {  	[sflag:s17] =	ssyncset.done $0x0  }
0xb6: {  	[sflag:s17] =	ssyncadd.s32 $0xFFFFE700  }
0xb7: {  	_ =	swait.ge [sflag:s17], $0x1900  }
0xb8: {  	[sflag:s17] =	ssyncset.done $0x0  }
0xb9: {  	[sflag:s17] =	ssyncadd.s32 $0xFFFFE700  }
0xba: {  	_ =	swait.ge [sflag:s17], $0x1900  }
0xbb: {  	s26 =	smov.u32 s23;
	s23 =	sadd.s32 $0x1A00, s23;
	[sflag:s17] =	ssyncset.done $0x0  }
0xbc: {  	p0 =	sne.s32 s23, $0x1A000;
	[sflag:s17] =	ssyncadd.s32 $0xFFFFE700  }
.Ltmp0:
0xbd: {  	_ =	swait.ge [sflag:s17], $0x1900;
	(pc) =	sbr.rel @p0 .LBB2_2-.Ltmp0, $4  }
0xbe: {  	[sflag:s17] =	ssyncset.done $0x0  }
0xbf: {  	[sflag:s17] =	ssyncadd.s32 $0xFFFFE700  }
0xc0: {  	s24 =	smov.u32 s21;
	s22 =	smov.u32 s26;
	_ =	swait.ge [sflag:s17], $0x1900  }
0xc1: {  	s21 =	sadd.s32 $0x3200, s21;
	p1 =	seq.s32 s22, $0x0;
	[sflag:s17] =	ssyncset.done $0x0  }
0xc2: {  	s23 =	simm.s32 @!p1 $0x3;
	[sflag:s17] =	ssyncadd.s32 $0xFFFFE700  }
0xc3: {  	[hbm4b:s24+s2] =	stream.linear.scatter [tilespmem:s11], [sflag:$0x4], $0xC800, $0x38;
	[tilespmem:$0x1F800] =	vst v63  }
0xc4: {  	_ =	swait.ge @!p1 [sflag:s23], $0xC800  }
0xc5: {  	[sflag:s23] =	ssyncset.done @!p1 $0x0  }
0xc6: {  	s22 =	sshra.s32 s22, $0x2;
	[sflag:s23] =	ssyncadd.s32 @!p1 $0xFFFF3800  }
0xc7: {  	[tilespmem:s9], [sflag:$0x1] =	stream.indirect.gather [hbm4b:s3+s8], $0x40, s22, s8, $0xb8;
	[tilespmem:$0x1F800] =	vst v63  }
0xc8: {  	s26 =	sadd.s32 $0x68, s22;
	s24 =	rddreg [dreg:$0x3]  }
0xc9: {  	[tilespmem:s24], [sflag:$0x1] =	stream.indirect.gather [hbm4b:s3+s8], $0x40, s26, s8, $0xb8;
	[tilespmem:$0x1F800] =	vst v63  }
0xca: {  	s28 =	sadd.s32 $0xD0, s22;
	s25 =	rddreg [dreg:$0x4]  }
0xcb: {  	[tilespmem:s25], [sflag:$0x1] =	stream.indirect.gather [hbm4b:s3+s8], $0x40, s28, s8, $0xb8;
	[tilespmem:$0x1F800] =	vst v63  }
0xcc: {  	s30 =	sadd.s32 $0x138, s22;
	s29 =	rddreg [dreg:$0x5]  }
0xcd: {  	[tilespmem:s29], [sflag:$0x1] =	stream.indirect.gather [hbm4b:s3+s8], $0x40, s30, s8, $0xb8;
	[tilespmem:$0x1F800] =	vst v63  }
0xce: {  	s31 =	rddreg [dreg:$0x6];
	s24 =	sadd.s32 $0x1A0, s22  }
0xcf: {  	[tilespmem:s31], [sflag:$0x1] =	stream.indirect.gather [hbm4b:s3+s8], $0x40, s24, s8, $0xb8;
	[tilespmem:$0x1F800] =	vst v63  }
0xd0: {  	s26 =	rddreg [dreg:$0x7];
	s28 =	sadd.s32 $0x208, s22  }
0xd1: {  	[tilespmem:s26], [sflag:$0x1] =	stream.indirect.gather [hbm4b:s3+s8], $0x40, s28, s8, $0xb8;
	[tilespmem:$0x1F800] =	vst v63  }
0xd2: {  	s29 =	rddreg [dreg:$0x8];
	s30 =	sadd.s32 $0x270, s22  }
0xd3: {  	[tilespmem:s29], [sflag:$0x1] =	stream.indirect.gather [hbm4b:s3+s8], $0x40, s30, s8, $0xb8;
	[tilespmem:$0x1F800] =	vst v63  }
0xd4: {  	s25 =	sadd.s32 $0x2D8, s22;
	s31 =	rddreg [dreg:$0x9]  }
0xd5: {  	[tilespmem:s31], [sflag:$0x1] =	stream.indirect.gather [hbm4b:s3+s8], $0x40, s25, s8, $0xb8;
	[tilespmem:$0x1F800] =	vst v63  }
0xd6: {  	_ =	swait.ge [sflag:s10], $0x1900  }
0xd7: {  	[sflag:s10] =	ssyncset.done $0x0  }
0xd8: {  	[sflag:s10] =	ssyncadd.s32 $0xFFFFE700  }
0xd9: {  	_ =	swait.ge [sflag:s10], $0x1900  }
0xda: {  	[sflag:s10] =	ssyncset.done $0x0  }
0xdb: {  	[sflag:s10] =	ssyncadd.s32 $0xFFFFE700  }
0xdc: {  	_ =	swait.ge [sflag:s10], $0x1900  }
0xdd: {  	[sflag:s10] =	ssyncset.done $0x0  }
0xde: {  	[sflag:s10] =	ssyncadd.s32 $0xFFFFE700  }
0xdf: {  	_ =	swait.ge [sflag:s10], $0x1900  }
0xe0: {  	[sflag:s10] =	ssyncset.done $0x0  }
0xe1: {  	[sflag:s10] =	ssyncadd.s32 $0xFFFFE700  }
0xe2: {  	_ =	swait.ge [sflag:s10], $0x1900  }
0xe3: {  	[sflag:s10] =	ssyncset.done $0x0  }
0xe4: {  	[sflag:s10] =	ssyncadd.s32 $0xFFFFE700  }
0xe5: {  	_ =	swait.ge [sflag:s10], $0x1900  }
0xe6: {  	[sflag:s10] =	ssyncset.done $0x0  }
0xe7: {  	[sflag:s10] =	ssyncadd.s32 $0xFFFFE700  }
0xe8: {  	_ =	swait.ge [sflag:s10], $0x1900  }
0xe9: {  	[sflag:s10] =	ssyncset.done $0x0  }
0xea: {  	[sflag:s10] =	ssyncadd.s32 $0xFFFFE700  }
0xeb: {  	_ =	swait.ge [sflag:s10], $0x1900  }
0xec: {  	[sflag:s10] =	ssyncset.done $0x0  }
0xed: {  	s24 =	simm.s32 @!p1 $0x4;
	s26 =	sadd.s32 $0xFFFFE700, s21;
	[sflag:s10] =	ssyncadd.s32 $0xFFFFE700  }
0xee: {  	[hbm4b:s26+s2] =	stream.linear.scatter [tilespmem:s9], [sflag:$0x3], $0xC800, $0x38;
	[tilespmem:$0x1F800] =	vst v63  }
0xef: {  	_ =	swait.ge @!p1 [sflag:s24], $0xC800  }
0xf0: {  	[sflag:s24] =	ssyncset.done @!p1 $0x0  }
0xf1: {  	s28 =	sadd.s32 $0x340, s22;
	[sflag:s24] =	ssyncadd.s32 @!p1 $0xFFFF3800  }
0xf2: {  	[tilespmem:s11], [sflag:$0x2] =	stream.indirect.gather [hbm4b:s3+s8], $0x40, s28, s8, $0xb8;
	[tilespmem:$0x1F800] =	vst v63  }
0xf3: {  	s30 =	sadd.s32 $0x3A8, s22;
	s29 =	rddreg [dreg:$0xa]  }
0xf4: {  	[tilespmem:s29], [sflag:$0x2] =	stream.indirect.gather [hbm4b:s3+s8], $0x40, s30, s8, $0xb8;
	[tilespmem:$0x1F800] =	vst v63  }
0xf5: {  	s26 =	sadd.s32 $0x410, s22;
	s31 =	rddreg [dreg:$0xb]  }
0xf6: {  	[tilespmem:s31], [sflag:$0x2] =	stream.indirect.gather [hbm4b:s3+s8], $0x40, s26, s8, $0xb8;
	[tilespmem:$0x1F800] =	vst v63  }
0xf7: {  	s28 =	sadd.s32 $0x478, s22  }
0xf8: {  	[tilespmem:s12], [sflag:$0x2] =	stream.indirect.gather [hbm4b:s3+s8], $0x40, s28, s8, $0xb8;
	[tilespmem:$0x1F800] =	vst v63  }
0xf9: {  	s29 =	sadd.s32 $0x4E0, s22  }
0xfa: {  	[tilespmem:s13], [sflag:$0x2] =	stream.indirect.gather [hbm4b:s3+s8], $0x40, s29, s8, $0xb8;
	[tilespmem:$0x1F800] =	vst v63  }
0xfb: {  	s30 =	sadd.s32 $0x548, s22  }
0xfc: {  	[tilespmem:s14], [sflag:$0x2] =	stream.indirect.gather [hbm4b:s3+s8], $0x40, s30, s8, $0xb8;
	[tilespmem:$0x1F800] =	vst v63  }
0xfd: {  	s31 =	sadd.s32 $0x5B0, s22  }
0xfe: {  	[tilespmem:s15], [sflag:$0x2] =	stream.indirect.gather [hbm4b:s3+s8], $0x40, s31, s8, $0xb8;
	[tilespmem:$0x1F800] =	vst v63  }
0xff: {  	s22 =	sadd.s32 $0x618, s22  }
0x100: {  	[tilespmem:s16], [sflag:$0x2] =	stream.indirect.gather [hbm4b:s3+s8], $0x40, s22, s8, $0xb8;
	[tilespmem:$0x1F800] =	vst v63  }
0x101: {  	_ =	swait.ge [sflag:s17], $0x1900  }
0x102: {  	[sflag:s17] =	ssyncset.done $0x0  }
0x103: {  	[sflag:s17] =	ssyncadd.s32 $0xFFFFE700  }
0x104: {  	_ =	swait.ge [sflag:s17], $0x1900  }
0x105: {  	[sflag:s17] =	ssyncset.done $0x0  }
0x106: {  	[sflag:s17] =	ssyncadd.s32 $0xFFFFE700  }
0x107: {  	_ =	swait.ge [sflag:s17], $0x1900  }
0x108: {  	[sflag:s17] =	ssyncset.done $0x0  }
0x109: {  	[sflag:s17] =	ssyncadd.s32 $0xFFFFE700  }
0x10a: {  	_ =	swait.ge [sflag:s17], $0x1900  }
0x10b: {  	[sflag:s17] =	ssyncset.done $0x0  }
0x10c: {  	[sflag:s17] =	ssyncadd.s32 $0xFFFFE700  }
0x10d: {  	_ =	swait.ge [sflag:s17], $0x1900  }
0x10e: {  	[sflag:s17] =	ssyncset.done $0x0  }
0x10f: {  	[sflag:s17] =	ssyncadd.s32 $0xFFFFE700  }
0x110: {  	_ =	swait.ge [sflag:s17], $0x1900  }
0x111: {  	[sflag:s17] =	ssyncset.done $0x0  }
0x112: {  	[sflag:s17] =	ssyncadd.s32 $0xFFFFE700  }
0x113: {  	_ =	swait.ge [sflag:s17], $0x1900  }
0x114: {  	[sflag:s17] =	ssyncset.done $0x0  }
0x115: {  	[sflag:s17] =	ssyncadd.s32 $0xFFFFE700  }
0x116: {  	_ =	swait.ge [sflag:s17], $0x1900  }
0x117: {  	[sflag:s17] =	ssyncset.done $0x0  }
0x118: {  	s20 =	sadd.s32 $0x1, s20;
	[sflag:s17] =	ssyncadd.s32 $0xFFFFE700  }
0x119: {  	[hbm4b:s21+s2] =	stream.linear.scatter [tilespmem:s11], [sflag:$0x4], $0xC800, $0x38;
	[tilespmem:$0x1F800] =	vst v63  }
0x11a: {  	p0 =	sne.s32 s20, s5;
	_ =	swait.ge [sflag:s18], $0xC800  }
.Ltmp1:
0x11b: {  	[sflag:s18] =	ssyncset.done $0x0;
	(pc) =	sbr.rel @p0 .LBB2_1-.Ltmp1, $4  }
0x11c: {  	[sflag:s18] =	ssyncadd.s32 $0xFFFF3800  }
0x11d: {  	_ =	swait.ge [sflag:s19], $0xC800  }
0x11e: {  	[sflag:s19] =	ssyncset.done $0x0  }
0x11f: {  	[sflag:s19] =	ssyncadd.s32 $0xFFFF3800  }
0x120: {  	_ =	sfence.sel $0x180000  }
0x121: {  	[bflag:$0x0] =	sbarrier.arrive $0xFFFF  }
0x122: {  	p0 =	sne.s32 s0, $0x0;
	_ =	strace $0x9000004A  }
0x123: {  	s0 =	sadd.s32 @!p0 $0x100000, s1;
	[bflag:$0x2] =	sbarrier.arrive $0xFFFF  }
0x124: {  	[sflag:s0] =	ssyncadd.tile.s32 @!p0 $0x1;
	_ =	shalt  }
.Lfunc_end2:
_tile_overlayer_lowered:
.L_overlay_start_2:
0x125: {  	(tag) =	ssettag $0x2  }
0x126: {  	s0 =	rddreg [dreg:$0x0];
	s2 =	stileid.u32  }
0x127: {  	s1 =	rddreg [dreg:$0x1];
	p0 =	sne.s32 s2, $0x0  }
0x128: {  	s3 =	rddreg [dreg:$0x2];
	[bflag:$0x3] =	sbarrier.arrive $0xFFFF;
	s2 =	simm.s32 @!p0 $0x1C05  }
0x129: {  	[timem:s3], [sflag:s2] =	dma.local @!p0 [hbm:s0], s1  }
0x12a: {  	s0 =	simm.s32 @!p0 $0x5  }
0x12b: {  	_ =	swait.ge @!p0 [sflag:s0], s1  }
0x12c: {  	s1 =	ssub.s32 @!p0 $0x0, s1;
	[sflag:s0] =	ssyncset.done @!p0 $0x0  }
0x12d: {  	[sflag:s0] =	ssyncadd.s32 @!p0 s1  }
0x12e: {  	[bflag:$0x3] =	sbarrier.arrive $0xFFFF  }
0x12f: {  	_ =	shalt  }

// kernel: sparse-core-data-format-call.1.cloned.1.call-start
scs
called_computation.1_lowered:
.L_overlay_start_0:
0x0: {  	s2 =	sld [smem:$0x3FD9]  }
0x1: {  	s3 =	sld [smem:$0x3FFE];
	_ =	sdelay $0x1  }
0x2: {  	s1 =	srdreg.scid  }
0x3: {  	s0 =	sand.u32 $0x1, s1  }
0x4: {  	s18 =	sshll.u32 s0, $0xA;
	s2 =	sadd.s32 s3, s2  }
0x5: {  	s2 =	sadd.s32 s2, s18  }
0x6: {  	[smem:$0x3FC6] =	sst s2  }
0x7: {  	_ = 	snop  }
0x8: {  	s2 =	sld [smem:$0x3FC8];
	(tm) =	ssettm $0x1  }
0x9: {  	s19 =	sld [smem:$0x3FFB];
	_ =	sdelay $0x3  }
0xa: {  	_ =	strace s19  }
0xb: {  	s3 =	sld [smem:$0x3FFC];
	_ =	sdelay $0x3  }
0xc: {  	_ =	strace s3  }
0xd: {  	s3 =	sld [smem:$0x3FFD];
	_ =	sdelay $0x3  }
0xe: {  	_ =	strace s3  }
0xf: {  	_ =	strace $0x8FFFFFFF  }
0x10: {  	s20 =	sld [smem:$0x3FDB];
	_ =	sdelay $0x1  }
0x11: {  	s4 =	simm.s32 $_scs_section_size  }
0x12: {  	s5 =	simm.s32 $_size__tile_overlayer_lowered;
	s6 =	simm.s32 $_tile_overlayer_lowered  }
0x13: {  	s23 =	simm.s32 $0x1BFF;
	s22 =	sshll.u32 s6, $0x1;
	s3 =	sadd.s32 s4, s20  }
0x14: {  	s7 =	simm.s32 $0x0;
	s21 =	sshll.u32 s5, $0x1;
	s5 =	sadd.s32 s22, s3  }
0x15: {  	[timem:s7], [sflag:s23] =	dma.local [hbm:s5], s21  }
0x16: {  	_ =	swait.ge [sflag:s23], s21  }
0x17: {  	s4 =	ssub.s32 $0x0, s21;
	[sflag:s23] =	ssyncset.done $0x0  }
0x18: {  	[sflag:s23] =	ssyncadd.s32 s4;
	_ =	sdelay $0x1  }
0x19: {  	s24 =	simm.s32 $0x1B8B  }
0x1a: {  	_ =	swait.ge [sflag:s24], $0x1  }
0x1b: {  	[sflag:s24] =	ssyncset.done $0x0  }
0x1c: {  	s26 =	simm.s32 $0x1B8E;
	s25 =	sld [smem:$0x3FFE];
	[sflag:s24] =	ssyncadd.s32 $0xFFFFFFFF  }
0x1d: {  	s27 =	simm.s32 $execute0_lowered;
	[smem:$0x3FD2] =	sst s26  }
0x1e: {  	s5 =	sshll.u32 s27, $0x1;
	_ =	strace $0x80000046;
	[dreg:$0x1] =	wrdreg $0xFFFFFFFF  }
0x1f: {  	s28 =	simm.s32 $_size_execute0_lowered;
	s3 =	sadd.s32 s3, s5;
	[dreg:$0x0] =	wrdreg $0x0  }
0x20: {  	s5 =	sshll.u32 s28, $0x1;
	[dreg:$0x2] =	wrdreg s3  }
0x21: {  	[dreg:$0x3] =	wrdreg s5  }
0x22: {  	[dreg:$0x4] =	wrdreg $0xC0  }
0x23: {  	_ =	task [dreg:s7], $0x5FFFF  }
0x24: {  	[dreg:$0x1] =	wrdreg $0xFFFFFFFF  }
0x25: {  	[dreg:$0x0] =	wrdreg $0x60  }
0x26: {  	[dreg:$0x2] =	wrdreg s2  }
0x27: {  	[dreg:$0x3] =	wrdreg s25  }
0x28: {  	[dreg:$0x4] =	wrdreg $0x9  }
0x29: {  	_ =	task.clear_ibuf [dreg:s7], $0x5FFFF;
	_ =	strace $0x90000046  }
0x2a: {  	s29 =	simm.s32 $0x9;
	_ =	strace $0x80000048  }
0x2b: {  	_ =	swait.ge [sflag:s29], $0x1  }
0x2c: {  	[sflag:s29] =	ssyncadd.s32 $0xFFFFFFFF  }
0x2d: {  	_ =	strace $0x90000048  }
0x2e: {  	_ =	sfence  }
0x2f: {  	s30 =	sld [smem:$0x0];
	_ =	sdelay $0x2  }
0x30: {  	s31 =	sshll.u32 s1, $0xD;
	s1 =	sshrl.u32 s1, $0x2  }
0x31: {  	s3 =	sand.u32 $0x4000, s31;
	s1 =	sadd.s32 s1, s30  }
0x32: {  	s0 =	sor.u32 s3, s0;
	s1 =	sshll.u32 s1, $0x11  }
0x33: {  	s0 =	sor.u32 s1, s0  }
0x34: {  	s0 =	sadd.s32 $0x8F2B, s0  }
0x35: {  	[sflag:s0] =	ssyncadd.remote.s32 $0x1  }
0x36: {  	_ =	sfence.sel $0xFFFF  }
0x37: {  	[dreg:$0x0] =	wrdreg $0xFFFFFFFF;
	(pc) =	sbr.abs _section_cstart, $3  }
0x38: {  	[dreg:$0x1] =	wrdreg $0xFFFFFFFF  }
0x39: {  	_ =	task.clear_ibuf [dreg:s7], $0x2FFFF;
	_ =	strace $0x9FFFFFFF  }
0x3a: {  	(tm) =	ssettm $0x7FFFFFFF  }
0x3b: {  	_ =	shalt  }
tec
execute0_lowered:
.L_overlay_start_1:
0x0: {  	(tag) =	ssettag $0x1  }
0x1: {  	s0 =	srdreg.scid;
	s2 =	rddreg [dreg:$0x0]  }
0x2: {  	s5 =	rddreg [dreg:$0x1];
	s1 =	stileid.u32  }
0x3: {  	s4 =	simm.s32 $0x1;
	s6 =	simm.s32 $0x2;
	s15 =	simm.s32 $0x0  }
0x4: {  	p0 =	por $0x0, $0x0;
	s8 =	simm.s32 $0x80;
	s0 =	sshll.u32 s0, $0x4  }
0x5: {  	s14 =	simm.s32 $0x0;
	s9 =	simm.s32 $0x0;
	s3 =	sand.u32 $0x10, s0  }
.Ltmp0:
0x6: {  	s10 =	simm.s32 $0x0;
	s3 =	sor.u32 s1, s3;
	(pc) =	sbr.rel .LBB1_1-.Ltmp0, $4  }
0x7: {  	s0 =	rddreg [dreg:$0x2];
	_ =	strace $0x80000047;
	s3 =	sshll.u32 s3, $0x7  }
0x8: {  	s12 =	simm.s32 $0x0;
	[sflag:s4] =	ssyncpa.u1 $0x0;
	s7 =	ssub.s32 $0xF4200, s3  }
0x9: {  	s13 =	simm.s32 $0x0;
	[sflag:s6] =	ssyncpa.u1 $0x0;
	s6 =	sshrl.u32 s7, $0xC  }
0xa: {  	s5 =	sadd.s32 $0xE00, s5;
	s11 =	smov.u32 s3;
	s7 =	sadd.s32 $0x2, s6  }
.LBB1_5:
0xb: {  	p1 =	slt.u32 s13, $0x2  }
0xc: {  	s17 =	smov.u32 s15;
	p2 =	sgt.s32 @!p1 s15, $0xF41C0;
	s16 =	sshra.s32 @!p1 s15, $0x1F  }
0xd: {  	p3 =	sgt.s32 @!p1 s14, $0x40;
	s18 =	sshra.s32 @!p1 s14, $0x1F;
	p2 =	por !p2, p1  }
0xe: {  	s15 =	sand.u32 @!p1 s16, s15;
	p3 =	por !p3, p1;
	s16 =	smov.u32 s14  }
0xf: {  	s14 =	sand.u32 @!p1 s18, s14;
	s17 =	simm.s32 @p2 $0xF41C0;
	s16 =	simm.s32 @p3 $0x40  }
0x10: {  	s15 =	ssub.s32 @!p1 s17, s15;
	s14 =	ssub.s32 @!p1 s16, s14  }
0x11: {  	s18 =	smov.u32 s12;
	s16 =	sadd.s32 @!p1 $0xFFF0BE40, s15;
	s17 =	sadd.s32 @!p1 $0xFFFFFFC0, s14  }
0x12: {  	s15 =	ssub.s32 @!p1 $0xF4240, s15;
	p2 =	sgt.s32 @!p1 s16, $0x7F;
	p3 =	sgt.s32 @!p1 s17, $0x3F  }
0x13: {  	s14 =	ssub.s32 @!p1 $0x80, s14;
	p2 =	por !p2, p1;
	p3 =	por !p3, p1  }
0x14: {  	s16 =	sadd.s32 $0x1000, s11;
	s15 =	simm.s32 @!p2 $0x0;
	s14 =	simm.s32 @!p3 $0x0  }
0x15: {  	p2 =	sgt.s32 s16, $0xF423F;
	s14 =	smul.u32 @!p1 s14, s15;
	s15 =	sadd.s32 $0x40, s12  }
0x16: {  	s18 =	smov.u32 @p2 s15  }
0x17: {  	s16 =	smov.u32 @p2 s3;
	p2 =	sgt.s32 s18, $0x3F  }
0x18: {  	s18 =	simm.s32 @p2 $0x0;
	p2 =	sne.s32 s13, s7  }
.Ltmp1:
0x19: {  	p0 =	por !p0, !p0;
	s17 =	simm.s32 @!p1 $0x2;
	(pc) =	sbr.rel @!p2 .LBB1_6-.Ltmp1, $4  }
0x1a: {  	s15 =	smov.u32 s9;
	s9 =	smov.u32 s11;
	s14 =	sand.u32 @!p1 $0x3FFFFFFF, s14  }
0x1b: {  	s11 =	smov.u32 s16;
	_ =	swait.ge @!p1 [sflag:s17], s14;
	s19 =	ssub.s32 @!p1 $0x0, s14  }
0x1c: {  	s14 =	smov.u32 s10;
	s13 =	sadd.s32 $0x1, s13;
	[sflag:s17] =	ssyncset.done @!p1 $0x0  }
0x1d: {  	s10 =	smov.u32 s12;
	s12 =	smov.u32 s18;
	[sflag:s17] =	ssyncadd.s32 @!p1 s19  }
.LBB1_1:
0x1e: {  	p1 =	sgt.u32 s13, s6  }
0x1f: {  	s16 =	sshrl.u32 @!p1 s12, $0x3  }
0x20: {  	s17 =	sshll.u32 @!p1 s11, $0x3;
	s16 =	smul.u32 @!p1 $0x7A1400, s16  }
0x21: {  	s18 =	sshll.u32 @!p1 s12, $0x7;
	s17 =	sand.u32 @!p1 $0xFFFFFC00, s17  }
0x22: {  	s16 =	sadd.s32 @!p1 s16, s17;
	s17 =	sand.u32 @!p1 $0x380, s18  }
0x23: {  	s18 =	sand.u32 @!p1 $0x7F, s11;
	s16 =	sor.u32 @!p1 s17, s16  }
0x24: {  	s17 =	sor.u32 @!p1 s18, s16  }
0x25: {  	s18 =	smulhi.u32 @!p1 $0x218D6287, s17;
	_ =	sdelay $0x1  }
0x26: {  	s16 =	smulhi.u32 @!p1 $0x218D6287, s16;
	s18 =	sshrl.u32 @!p1 s18, $0x11  }
0x27: {  	s18 =	smul.u32 @!p1 $0xF4280, s18  }
0x28: {  	s19 =	sxor.u32 @!p1 $0xFFFFFFFF, s13;
	s16 =	sshrl.u32 @!p1 s16, $0x11  }
0x29: {  	s19 =	sshll.u32 @!p1 s19, $0xD;
	s16 =	sand.u32 @!p1 $0x3F, s16;
	s17 =	ssub.s32 @!p1 s17, s18  }
0x2a: {  	s16 =	smul.u32 @!p1 $0x1E850, s16;
	s18 =	sshrl.u32 @!p1 s17, $0x3;
	s17 =	sand.u32 @!p1 $0x7, s17  }
0x2b: {  	s19 =	sand.u32 @!p1 $0x2000, s19;
	s18 =	sadd.s32 @!p1 s2, s18;
	s17 =	sshll.u32 @!p1 s17, $0x12  }
0x2c: {  	s16 =	sadd.s32 @!p1 s16, s18;
	s17 =	sor.u32 @!p1 $0x400, s17;
	s18 =	simm.s32 @!p1 $0x7A1400  }
0x2d: {  	[tilespmem:s19], [sflag:$0x1] =	stream.strided.gather @!p1 [hbm4b:s16+s17], $0x2000, s18, s17, $0x38;
	[tilespmem:$0x8100] =	vst v63  }
0x2e: {  	p1 =	seq.s32 s13, $0x0  }
0x2f: {  	p2 =	sge.u32 @!p1 s13, s7  }
0x30: {  	p1 =	por p1, p2  }
.Ltmp2:
0x31: {  	_ = 	snop;
	(pc) =	sbr.rel @p1 .LBB1_5-.Ltmp2, $1  }
0x32: {  	_ =	sdelay $0x3  }
0x33: {  	s16 =	simm.s32 $0x1  }
0x34: {  	_ =	swait.ge [sflag:s4], $0x2000;
	s16 =	simm.s32 @!p0 $0x0  }
0x35: {  	[sflag:s4] =	ssyncset.done $0x0;
	s17 =	sshll.u32 s16, $0xD  }
0x36: {  	[sflag:s4] =	ssyncadd.s32 $0xFFFFE000;
	s17 =	sor.u32 $0x40, s17  }
0x37: {  	s16 =	smul.u32 $0x8200, s16;
	v0 =	vld [tilespmem:s17+$0x30]  }
0x38: {  	v1 =	vld [tilespmem:s17+$0xFFFFFFD0]  }
0x39: {  	s16 =	sshrl.u32 s16, $0x2;
	v5 =	vld [tilespmem:s17+$0xFFFFFFE0]  }
0x3a: {  	v6 =	vld [tilespmem:s17+$0xFFFFFFF0];
	s19 =	sor.u32 $0x4000, s16  }
0x3b: {  	s31 =	sand.u32 $0x1, s13;
	v4 =	vld [tilespmem:s17+$0x0];
	s18 =	sadd.s32 $0x0, s19  }
0x3c: {  	v3 =	vld [tilespmem:s17+$0x10];
	s16 =	smul.u32 $0x8200, s31;
	[tilespmem:s18+$0x1C70 ss:$0x41] =	vst.msk $0xffff, v0  }
0x3d: {  	v2 =	vld [tilespmem:s17+$0x20];
	[tilespmem:s18+$0x410 ss:$0x41] =	vst.msk $0xffff, v1  }
0x3e: {  	s16 =	sshrl.u32 s16, $0x2;
	v1 =	vld [tilespmem:s17+$0xFFFFFFC0];
	[tilespmem:s18+$0x820 ss:$0x41] =	vst.msk $0xffff, v5;
	s17 =	sadd.s32 $0x80, s17  }
0x3f: {  	s20 =	simm.s32 $0x4;
	s21 =	simm.s32 $0x8;
	s16 =	sor.u32 $0x4000, s16;
	[tilespmem:s18+$0xC30 ss:$0x41] =	vst.msk $0xffff, v6;
	v0 =	vld [tilespmem:s17+$0x30]  }
.LBB1_3:
0x40: {  	p1 =	sne.s32 s21, $0xFC;
	v5 =	vld [tilespmem:s17+$0xFFFFFFD0];
	[tilespmem:s18+$0x1040 ss:$0x41] =	vst.msk $0xffff, v4  }
0x41: {  	v6 =	vld [tilespmem:s17+$0xFFFFFFE0];
	[tilespmem:s18+$0x1450 ss:$0x41] =	vst.msk $0xffff, v3  }
0x42: {  	s22 =	sshra.s32 s20, $0x2;
	s20 =	smov.u32 s21;
	v7 =	vld [tilespmem:s17+$0xFFFFFFF0];
	[tilespmem:s18+$0x1860 ss:$0x41] =	vst.msk $0xffff, v2  }
.Ltmp3:
0x43: {  	v4 =	vld [tilespmem:s17+$0x0];
	[tilespmem:s18+$0x0 ss:$0x41] =	vst.msk $0xffff, v1;
	s18 =	sadd.s32 s22, s19;
	(pc) =	sbr.rel @p1 .LBB1_3-.Ltmp3, $4  }
0x44: {  	v3 =	vld [tilespmem:s17+$0x10];
	[tilespmem:s18+$0x1C70 ss:$0x41] =	vst.msk $0xffff, v0  }
0x45: {  	[tilespmem:s18+$0x410 ss:$0x41] =	vst.msk $0xffff, v5;
	v2 =	vld [tilespmem:s17+$0x20]  }
0x46: {  	v1 =	vld [tilespmem:s17+$0xFFFFFFC0];
	[tilespmem:s18+$0x820 ss:$0x41] =	vst.msk $0xffff, v6;
	s17 =	sadd.s32 $0x80, s17  }
0x47: {  	s21 =	sadd.s32 $0x4, s21;
	v0 =	vld [tilespmem:s17+$0x30];
	[tilespmem:s18+$0xC30 ss:$0x41] =	vst.msk $0xffff, v7  }
0x48: {  	s21 =	sshll.u32 s9, $0x7;
	s22 =	sshll.u32 s10, $0x3;
	s20 =	sshra.s32 s20, $0x2  }
0x49: {  	p1 =	sgt.s32 s9, $0xF41C0;
	s30 =	sshra.s32 s9, $0x1F;
	s25 =	sshra.s32 s10, $0x1F  }
0x4a: {  	v5 =	vld [tilespmem:s17+$0xFFFFFFD0];
	s28 =	sshrl.u32 s10, $0x3;
	s23 =	sand.u32 $0xFFFFFC00, s21;
	s22 =	sand.u32 $0xFFFFFC00, s22  }
0x4b: {  	[tilespmem:s18+$0x1040 ss:$0x41] =	vst.msk $0xffff, v4;
	v58 =	vld [tilespmem:s17+$0xFFFFFFE0];
	s21 =	sand.u32 $0x380, s21;
	s19 =	sadd.s32 s20, s19;
	s22 =	sadd.s32 s22, s23  }
0x4c: {  	v59 =	vld [tilespmem:s17+$0xFFFFFFF0];
	[tilespmem:s18+$0x1450 ss:$0x41] =	vst.msk $0xffff, v3;
	s29 =	sor.u32 s21, s22;
	s21 =	smov.u32 s9;
	s22 =	sand.u32 s30, s9  }
0x4d: {  	v60 =	vld [tilespmem:s17+$0x0];
	[tilespmem:s18+$0x1860 ss:$0x41] =	vst.msk $0xffff, v2;
	s30 =	sand.u32 $0x7, s10;
	s20 =	sshrl.u32 s29, $0x7;
	s21 =	simm.s32 @!p1 $0xF41C0  }
0x4e: {  	v61 =	vld [tilespmem:s17+$0x10];
	[tilespmem:s18+$0x0 ss:$0x41] =	vst.msk $0xffff, v1;
	p1 =	sgt.s32 s10, $0x40;
	s24 =	ssub.s32 s21, s22;
	s21 =	smov.u32 s10  }
0x4f: {  	v62 =	vld [tilespmem:s17+$0x20];
	[tilespmem:s19+$0x1C70 ss:$0x41] =	vst.msk $0xffff, v0;
	s31 =	smulhi.u32 $0x218DEF5, s20;
	s22 =	sand.u32 s25, s10;
	s21 =	simm.s32 @!p1 $0x40  }
0x50: {  	v63 =	vld [tilespmem:s17+$0xFFFFFFC0];
	[tilespmem:s19+$0x410 ss:$0x41] =	vst.msk $0xffff, v5;
	s26 =	sadd.s32 $0xFFF0BE40, s24;
	s17 =	ssub.s32 $0xF4240, s24;
	s21 =	ssub.s32 s21, s22  }
0x51: {  	[tilespmem:s19+$0x820 ss:$0x41] =	vst.msk $0xffff, v58;
	s23 =	sshrl.u32 s31, $0xD;
	p1 =	sgt.s32 s26, $0x7F;
	s27 =	sadd.s32 $0xFFFFFFC0, s21  }
0x52: {  	[tilespmem:s19+$0xC30 ss:$0x41] =	vst.msk $0xffff, v59;
	s23 =	smul.u32 $0xF4240, s23;
	s18 =	ssub.s32 $0x80, s21;
	p2 =	sgt.s32 s27, $0x3F  }
.Ltmp4:
0x53: {  	[tilespmem:s19+$0x1040 ss:$0x41] =	vst.msk $0xffff, v60;
	s17 =	simm.s32 @p1 $0x0;
	s18 =	simm.s32 @p2 $0x0;
	(pc) =	sbr.rel .LBB1_5-.Ltmp4, $4  }
0x54: {  	s29 =	sand.u32 $0xF, s28;
	[tilespmem:s19+$0x1450 ss:$0x41] =	vst.msk $0xffff, v61;
	s20 =	ssub.s32 s20, s23;
	s17 =	smul.u32 s18, s17  }
0x55: {  	[tilespmem:s19+$0x1860 ss:$0x41] =	vst.msk $0xffff, v62;
	s21 =	sshll.u32 s30, $0x12;
	s20 =	sshll.u32 s20, $0x4;
	s18 =	sadd.s32 s5, s29  }
0x56: {  	[tilespmem:s19+$0x0 ss:$0x41] =	vst.msk $0xffff, v63;
	s31 =	sor.u32 $0x40, s21;
	s18 =	sadd.s32 s20, s18;
	s17 =	sand.u32 $0x3FFFFFFF, s17  }
0x57: {  	[hbm4b:s18+s31] =	stream.strided.scatter [tilespmem:s16], [sflag:$0x2], s17, s8, s31, $0x18;
	[tilespmem:$0x8100] =	vst v63  }
.LBB1_6:
0x58: {  	_ =	sfence.sel $0x180000  }
0x59: {  	s2 =	simm.s32 $0x1;
	[bflag:$0x0] =	sbarrier.arrive $0xFFFF  }
0x5a: {  	s31 =	simm.s32 $0x2;
	[sflag:s2] =	ssyncpa.u1 $0x1  }
0x5b: {  	[sflag:s31] =	ssyncpa.u1 $0x1  }
0x5c: {  	p0 =	sne.s32 s1, $0x0;
	_ =	strace $0x90000047  }
0x5d: {  	s0 =	sadd.s32 @!p0 $0x100000, s0;
	[bflag:$0x2] =	sbarrier.arrive $0xFFFF  }
0x5e: {  	[sflag:s0] =	ssyncadd.tile.s32 @!p0 $0x1;
	_ =	shalt  }
.Lfunc_end1:
_tile_overlayer_lowered:
.L_overlay_start_2:
0x5f: {  	(tag) =	ssettag $0x2  }
0x60: {  	s0 =	rddreg [dreg:$0x0];
	s2 =	stileid.u32  }
0x61: {  	s1 =	rddreg [dreg:$0x1];
	p0 =	sne.s32 s2, $0x0  }
0x62: {  	s3 =	rddreg [dreg:$0x2];
	[bflag:$0x3] =	sbarrier.arrive $0xFFFF;
	s2 =	simm.s32 @!p0 $0x1C01  }
0x63: {  	[timem:s3], [sflag:s2] =	dma.local @!p0 [hbm:s0], s1  }
0x64: {  	s0 =	simm.s32 @!p0 $0x1  }
0x65: {  	_ =	swait.ge @!p0 [sflag:s0], s1  }
0x66: {  	s1 =	ssub.s32 @!p0 $0x0, s1;
	[sflag:s0] =	ssyncset.done @!p0 $0x0  }
0x67: {  	[sflag:s0] =	ssyncadd.s32 @!p0 s1  }
0x68: {  	[bflag:$0x3] =	sbarrier.arrive $0xFFFF  }
0x69: {  	_ =	shalt  }

// kernel: sparse-core-data-format-call.cloned.1.call-start
scs
called_computation_lowered:
.L_overlay_start_0:
0x0: {  	s2 =	sld [smem:$0x3FD9]  }
0x1: {  	s3 =	sld [smem:$0x3FFE];
	_ =	sdelay $0x1  }
0x2: {  	s1 =	srdreg.scid  }
0x3: {  	s0 =	sand.u32 $0x1, s1  }
0x4: {  	s18 =	sshll.u32 s0, $0xA;
	s2 =	sadd.s32 s3, s2  }
0x5: {  	s2 =	sadd.s32 s2, s18  }
0x6: {  	[smem:$0x3FC6] =	sst s2  }
0x7: {  	_ = 	snop  }
0x8: {  	s2 =	sld [smem:$0x3FD0];
	(tm) =	ssettm $0x1  }
0x9: {  	s19 =	sld [smem:$0x3FFB];
	_ =	sdelay $0x3  }
0xa: {  	_ =	strace s19  }
0xb: {  	s3 =	sld [smem:$0x3FFC];
	_ =	sdelay $0x3  }
0xc: {  	_ =	strace s3  }
0xd: {  	s3 =	sld [smem:$0x3FFD];
	_ =	sdelay $0x3  }
0xe: {  	_ =	strace s3  }
0xf: {  	_ =	strace $0x8FFFFFFF  }
0x10: {  	s20 =	sld [smem:$0x3FDB];
	_ =	sdelay $0x1  }
0x11: {  	s4 =	simm.s32 $_scs_section_size  }
0x12: {  	s5 =	simm.s32 $_size__tile_overlayer_lowered;
	s6 =	simm.s32 $_tile_overlayer_lowered  }
0x13: {  	s23 =	simm.s32 $0x1BFF;
	s22 =	sshll.u32 s6, $0x1;
	s3 =	sadd.s32 s4, s20  }
0x14: {  	s7 =	simm.s32 $0x0;
	s21 =	sshll.u32 s5, $0x1;
	s5 =	sadd.s32 s22, s3  }
0x15: {  	[timem:s7], [sflag:s23] =	dma.local [hbm:s5], s21  }
0x16: {  	_ =	swait.ge [sflag:s23], s21  }
0x17: {  	s4 =	ssub.s32 $0x0, s21;
	[sflag:s23] =	ssyncset.done $0x0  }
0x18: {  	[sflag:s23] =	ssyncadd.s32 s4;
	_ =	sdelay $0x1  }
0x19: {  	s24 =	simm.s32 $0x1B8B  }
0x1a: {  	_ =	swait.ge [sflag:s24], $0x1  }
0x1b: {  	[sflag:s24] =	ssyncset.done $0x0  }
0x1c: {  	s26 =	simm.s32 $0x1B8E;
	s25 =	sld [smem:$0x3FFE];
	[sflag:s24] =	ssyncadd.s32 $0xFFFFFFFF  }
0x1d: {  	s27 =	simm.s32 $execute0_lowered;
	[smem:$0x3FD2] =	sst s26  }
0x1e: {  	s5 =	sshll.u32 s27, $0x1;
	_ =	strace $0x8000004C;
	[dreg:$0x1] =	wrdreg $0xFFFFFFFF  }
0x1f: {  	s28 =	simm.s32 $_size_execute0_lowered;
	s3 =	sadd.s32 s3, s5;
	[dreg:$0x0] =	wrdreg $0x0  }
0x20: {  	s5 =	sshll.u32 s28, $0x1;
	[dreg:$0x2] =	wrdreg s3  }
0x21: {  	[dreg:$0x3] =	wrdreg s5  }
0x22: {  	[dreg:$0x4] =	wrdreg $0xC0  }
0x23: {  	_ =	task [dreg:s7], $0x5FFFF  }
0x24: {  	[dreg:$0x1] =	wrdreg $0xFFFFFFFF  }
0x25: {  	[dreg:$0x0] =	wrdreg $0x60  }
0x26: {  	[dreg:$0x2] =	wrdreg s25  }
0x27: {  	[dreg:$0x3] =	wrdreg s2  }
0x28: {  	[dreg:$0x4] =	wrdreg $0x9  }
0x29: {  	_ =	task.clear_ibuf [dreg:s7], $0x5FFFF;
	_ =	strace $0x9000004C  }
0x2a: {  	s29 =	simm.s32 $0x9;
	_ =	strace $0x8000004E  }
0x2b: {  	_ =	swait.ge [sflag:s29], $0x1  }
0x2c: {  	[sflag:s29] =	ssyncadd.s32 $0xFFFFFFFF  }
0x2d: {  	_ =	strace $0x9000004E  }
0x2e: {  	_ =	sfence  }
0x2f: {  	s30 =	sld [smem:$0x0];
	_ =	sdelay $0x2  }
0x30: {  	s31 =	sshll.u32 s1, $0xD;
	s1 =	sshrl.u32 s1, $0x2  }
0x31: {  	s3 =	sand.u32 $0x4000, s31;
	s1 =	sadd.s32 s1, s30  }
0x32: {  	s0 =	sor.u32 s3, s0;
	s1 =	sshll.u32 s1, $0x11  }
0x33: {  	s0 =	sor.u32 s1, s0  }
0x34: {  	s0 =	sadd.s32 $0x8F2B, s0  }
0x35: {  	[sflag:s0] =	ssyncadd.remote.s32 $0x1  }
0x36: {  	_ =	sfence.sel $0xFFFF  }
0x37: {  	[dreg:$0x0] =	wrdreg $0xFFFFFFFF;
	(pc) =	sbr.abs _section_cstart, $3  }
0x38: {  	[dreg:$0x1] =	wrdreg $0xFFFFFFFF  }
0x39: {  	_ =	task.clear_ibuf [dreg:s7], $0x2FFFF;
	_ =	strace $0x9FFFFFFF  }
0x3a: {  	(tm) =	ssettm $0x7FFFFFFF  }
0x3b: {  	_ =	shalt  }
tec
execute0_lowered:
.L_overlay_start_1:
0x0: {  	(tag) =	ssettag $0x1  }
0x1: {  	s0 =	srdreg.scid  }
0x2: {  	s1 =	sshll.u32 s0, $0x4  }
0x3: {  	s0 =	stileid.u32;
	s1 =	sand.u32 $0x10, s1  }
0x4: {  	s1 =	sor.u32 s0, s1  }
0x5: {  	s6 =	rddreg [dreg:$0x0];
	s4 =	simm.s32 $0x1;
	s2 =	sshll.u32 s1, $0x7  }
0x6: {  	s7 =	simm.s32 $0x2;
	s12 =	simm.s32 $0x0;
	s1 =	ssub.s32 $0x1000, s2  }
0x7: {  	s8 =	simm.s32 $0x8000;
	s13 =	simm.s32 $0x0;
	s3 =	sand.u32 $0xF80, s1  }
0x8: {  	s9 =	simm.s32 $0x0;
	s5 =	sshrl.u32 s1, $0xC;
	p0 =	sne.s32 s3, $0x0  }
.Ltmp0:
0x9: {  	s1 =	rddreg [dreg:$0x2];
	s4 =	simm.s32 @!p0 $0x0;
	(pc) =	sbr.rel .LBB1_1-.Ltmp0, $4  }
0xa: {  	s11 =	simm.s32 $0x0;
	s3 =	rddreg [dreg:$0x1];
	s5 =	sadd.s32 s4, s5  }
0xb: {  	_ =	strace $0x8000004D;
	s4 =	simm.s32 $0x1;
	s5 =	smul.u32 $0xC8, s5  }
0xc: {  	s6 =	sadd.s32 $0xE00, s6;
	s10 =	smov.u32 s2;
	[sflag:s4] =	ssyncpa.u1 $0x0  }
0xd: {  	p0 =	por $0x0, $0x0;
	[sflag:s7] =	ssyncpa.u1 $0x0;
	s7 =	sor.u32 $0x1, s5  }
.LBB1_4:
0xe: {  	s16 =	sshll.u32 s13, $0x3;
	s17 =	sand.u32 $0x78, s13  }
0xf: {  	s30 =	sand.u32 $0x7E00, s13;
	s12 =	sshll.u32 s12, $0xF;
	s16 =	sand.u32 $0xC00, s16  }
0x10: {  	[tilespmem:s15+$0x810 ss:$0x81] =	vst.msk $0xffff, v2;
	s31 =	sand.u32 $0x7, s13;
	s16 =	sor.u32 s17, s16;
	s17 =	sadd.s32 s3, s30  }
0x11: {  	[tilespmem:s15+$0x1020 ss:$0x81] =	vst.msk $0xffff, v0;
	s13 =	sshll.u32 s31, $0x12;
	s12 =	sadd.s32 s12, s17;
	s16 =	sshrl.u32 s16, $0x3  }
0x12: {  	[tilespmem:s15+$0x0 ss:$0x81] =	vst.msk $0xffff, v1;
	s13 =	sor.u32 $0x400, s13;
	s12 =	sadd.s32 s16, s12  }
0x13: {  	[hbm4b:s12+s13] =	stream.strided.scatter [tilespmem:s14], [sflag:$0x2], $0x2000, s8, s13, $0x20;
	[tilespmem:$0x8080] =	vst v63  }
.LBB1_5:
0x14: {  	s14 =	sadd.s32 $0x1, s9  }
0x15: {  	s12 =	sadd.s32 $0x1000, s10;
	s16 =	smov.u32 s10;
	p2 =	sgt.s32 s14, $0xC7  }
0x16: {  	s16 =	smov.u32 @p2 s12  }
0x17: {  	s14 =	simm.s32 @p2 $0x0;
	p2 =	sgt.s32 s16, $0xFFF  }
0x18: {  	s16 =	smov.u32 @p2 s2;
	p2 =	sne.s32 s11, s7  }
.Ltmp1:
0x19: {  	p1 =	slt.u32 s11, $0x2;
	(pc) =	sbr.rel @!p2 .LBB1_6-.Ltmp1, $4  }
0x1a: {  	s15 =	simm.s32 @!p1 $0x2  }
0x1b: {  	s13 =	smov.u32 s10;
	p0 =	por !p0, !p0;
	_ =	swait.ge @!p1 [sflag:s15], $0x2000  }
0x1c: {  	s12 =	smov.u32 s9;
	[sflag:s15] =	ssyncset.done @!p1 $0x0;
	s9 =	smov.u32 s14  }
0x1d: {  	s11 =	sadd.s32 $0x1, s11;
	[sflag:s15] =	ssyncadd.s32 @!p1 $0xFFFFE000;
	s10 =	smov.u32 s16  }
.LBB1_1:
0x1e: {  	p1 =	sge.u32 s11, s5  }
0x1f: {  	s14 =	sand.u32 @!p1 $0x1FFFFFF, s9  }
0x20: {  	s15 =	smulhi.u32 @!p1 $0x147AE15, s14;
	_ =	sdelay $0x1  }
0x21: {  	s15 =	smul.u32 @!p1 $0xC8, s15  }
0x22: {  	s16 =	sxor.u32 @!p1 $0xFFFFFFFF, s11;
	s17 =	smul.u32 @!p1 $0xC80, s10  }
0x23: {  	s31 =	sadd.s32 $0xFFFFFFFF, s11;
	s16 =	sshll.u32 @!p1 s16, $0xD;
	s14 =	ssub.s32 @!p1 s14, s15  }
0x24: {  	s15 =	sand.u32 @!p1 $0x2000, s16;
	s16 =	sadd.s32 @!p1 s6, s17;
	s14 =	sshll.u32 @!p1 s14, $0x4  }
0x25: {  	s17 =	simm.s32 @!p1 $0x6400;
	s14 =	sadd.s32 @!p1 s14, s16;
	s16 =	simm.s32 @!p1 $0x40  }
0x26: {  	[tilespmem:s15], [sflag:$0x1] =	stream.strided.gather @!p1 [hbm4b:s14+s16], $0x2000, s17, s16, $0x38;
	[tilespmem:$0x8080] =	vst v63  }
0x27: {  	p1 =	sge.u32 s31, s5  }
.Ltmp2:
0x28: {  	_ = 	snop;
	(pc) =	sbr.rel @p1 .LBB1_5-.Ltmp2, $1  }
0x29: {  	_ =	sdelay $0x3  }
0x2a: {  	s14 =	simm.s32 $0x1  }
0x2b: {  	_ =	swait.ge [sflag:s4], $0x2000;
	s14 =	simm.s32 @!p0 $0x0  }
0x2c: {  	[sflag:s4] =	ssyncset.done $0x0;
	s15 =	sshll.u32 s14, $0xD  }
0x2d: {  	[sflag:s4] =	ssyncadd.s32 $0xFFFFE000;
	s18 =	sor.u32 $0x20, s15  }
0x2e: {  	s14 =	smul.u32 $0x8100, s14;
	v3 =	vld [tilespmem:s18+$0x10]  }
0x2f: {  	s30 =	sand.u32 $0x1, s11;
	v2 =	vld [tilespmem:s18+$0xFFFFFFF0]  }
0x30: {  	s15 =	smul.u32 $0x8100, s30;
	s14 =	sshrl.u32 s14, $0x2;
	v0 =	vld [tilespmem:s18+$0x0]  }
0x31: {  	v1 =	vld [tilespmem:s18+$0xFFFFFFE0];
	s16 =	sor.u32 $0x4000, s14  }
0x32: {  	s31 =	sshrl.u32 s15, $0x2;
	s15 =	sadd.s32 $0x0, s16  }
0x33: {  	s17 =	simm.s32 $0x4;
	s18 =	sadd.s32 $0x40, s18;
	s14 =	sor.u32 $0x4000, s31;
	[tilespmem:s15+$0x1830 ss:$0x81] =	vst.msk $0xffff, v3  }
.LBB1_3:
0x34: {  	v3 =	vld [tilespmem:s18+$0x10];
	p1 =	sne.s32 s17, $0x1FC;
	[tilespmem:s15+$0x810 ss:$0x81] =	vst.msk $0xffff, v2;
	s19 =	smov.u32 s17;
	s17 =	sadd.s32 $0x4, s17  }
.Ltmp3:
0x35: {  	v2 =	vld [tilespmem:s18+$0xFFFFFFF0];
	[tilespmem:s15+$0x1020 ss:$0x81] =	vst.msk $0xffff, v0;
	(pc) =	sbr.rel @p1 .LBB1_3-.Ltmp3, $4  }
0x36: {  	v0 =	vld [tilespmem:s18+$0x0];
	[tilespmem:s15+$0x0 ss:$0x81] =	vst.msk $0xffff, v1  }
0x37: {  	s15 =	sshra.s32 s19, $0x2;
	v1 =	vld [tilespmem:s18+$0xFFFFFFE0]  }
0x38: {  	s15 =	sadd.s32 s15, s16  }
0x39: {  	s18 =	sadd.s32 $0x40, s18;
	[tilespmem:s15+$0x1830 ss:$0x81] =	vst.msk $0xffff, v3  }
.Ltmp4:
0x3a: {  	_ = 	snop;
	(pc) =	sbr.rel .LBB1_4-.Ltmp4, $1  }
0x3b: {  	_ =	sdelay $0x3  }
.LBB1_6:
0x3c: {  	_ =	sfence.sel $0x180000  }
0x3d: {  	s2 =	simm.s32 $0x1;
	[bflag:$0x0] =	sbarrier.arrive $0xFFFF  }
0x3e: {  	s31 =	simm.s32 $0x2;
	[sflag:s2] =	ssyncpa.u1 $0x1  }
0x3f: {  	[sflag:s31] =	ssyncpa.u1 $0x1  }
0x40: {  	p0 =	sne.s32 s0, $0x0;
	_ =	strace $0x9000004D  }
0x41: {  	s0 =	sadd.s32 @!p0 $0x100000, s1;
	[bflag:$0x2] =	sbarrier.arrive $0xFFFF  }
0x42: {  	[sflag:s0] =	ssyncadd.tile.s32 @!p0 $0x1;
	_ =	shalt  }
.Lfunc_end1:
_tile_overlayer_lowered:
.L_overlay_start_2:
0x43: {  	(tag) =	ssettag $0x2  }
0x44: {  	s0 =	rddreg [dreg:$0x0];
	s2 =	stileid.u32  }
0x45: {  	s1 =	rddreg [dreg:$0x1];
	p0 =	sne.s32 s2, $0x0  }
0x46: {  	s3 =	rddreg [dreg:$0x2];
	[bflag:$0x3] =	sbarrier.arrive $0xFFFF;
	s2 =	simm.s32 @!p0 $0x1C01  }
0x47: {  	[timem:s3], [sflag:s2] =	dma.local @!p0 [hbm:s0], s1  }
0x48: {  	s0 =	simm.s32 @!p0 $0x1  }
0x49: {  	_ =	swait.ge @!p0 [sflag:s0], s1  }
0x4a: {  	s1 =	ssub.s32 @!p0 $0x0, s1;
	[sflag:s0] =	ssyncset.done @!p0 $0x0  }
0x4b: {  	[sflag:s0] =	ssyncadd.s32 @!p0 s1  }
0x4c: {  	[bflag:$0x3] =	sbarrier.arrive $0xFFFF  }
0x4d: {  	_ =	shalt  }

</sc_bundles>
